<compile_context>
chip_gen: v7x
topology: tpu7x:2x2x1
jax: 0.10.2.dev20260603
libtpu: 0.0.44.dev20260713+nightly
codegen_flags: <defaults>
</compile_context>

<pallas_src>
import functools

import jax
import jax.numpy as jnp
from jax import lax
from jax.experimental import pallas as pl
from jax.experimental.pallas import tpu as pltpu
from jax.experimental.pallas import tpu_sc as plsc

D = 128
V0, V1, V2 = 5, 6, 2
TROWS = 64


def _combine_body(w0_ref, w1_ref, w2_ref, out_ref):
    code = lax.broadcasted_iota(jnp.int32, (TROWS, 1), 0)
    i0 = code // (V1 * V2)
    i1 = (code // V2) % V1
    i2 = code % V2
    acc = jnp.zeros((TROWS, D), jnp.float32)
    for v in range(V0):
        acc = acc + jnp.where(i0 == v, w0_ref[v : v + 1, :], 0.0)
    for v in range(V1):
        acc = acc + jnp.where(i1 == v, w1_ref[v : v + 1, :], 0.0)
    for v in range(V2):
        acc = acc + jnp.where(i2 == v, w2_ref[v : v + 1, :], 0.0)
    out_ref[...] = acc


def _combine_tables(W0, W1, W2):
    return pl.pallas_call(
        _combine_body,
        out_shape=jax.ShapeDtypeStruct((TROWS, D), jnp.float32),
    )(W0, W1, W2)


def _make_sc_lookup(E):
    NW = 32
    per_w = E // NW
    CH = 80
    NCH = per_w // CH
    NBUF = 6
    assert per_w * NW == E and NCH * CH == per_w
    assert CH % 16 == 0 and CH <= 128 and CH % 8 == 0 and NCH > NBUF

    mesh = plsc.VectorSubcoreMesh(core_axis_name="c", subcore_axis_name="s")

    @functools.partial(
        pl.kernel,
        out_type=jax.ShapeDtypeStruct((E, D), jnp.float32),
        mesh=mesh,
        scratch_types=[
            pltpu.VMEM_SHARED((TROWS, D), jnp.float32),
            pltpu.VMEM((4 * CH, 3), jnp.int32),
            pltpu.VMEM((NBUF * CH,), jnp.int32),
            pltpu.VMEM((NBUF * CH, D), jnp.float32),
            pltpu.SemaphoreType.DMA,
            pltpu.SemaphoreType.DMA,
            pltpu.SemaphoreType.DMA,
        ],
        compiler_params=pltpu.CompilerParams(needs_layout_passes=False),
    )
    def lookup(tcomb_hbm, x2_hbm, out_hbm, tcv, xv, codev, rows, xsem, gsem, osem):
        cid = lax.axis_index("c")
        sid = lax.axis_index("s")
        wid = sid * 2 + cid
        base = wid * per_w
        lane = lax.iota(jnp.int32, 16)
        @pl.when(sid == 0)
        def _():
            pltpu.sync_copy(tcomb_hbm, tcv)

        plsc.subcore_barrier()
        for pf in range(3):
            pltpu.async_copy(
                x2_hbm.at[pl.ds(base + pf * CH, CH), :],
                xv.at[pl.ds(pf * CH, CH), :],
                xsem,
            )

        def wait_gather():
            pltpu.make_async_copy(
                tcv.at[codev.at[pl.ds(0, CH)]], rows.at[pl.ds(0, CH)], gsem
            ).wait()

        def wait_scatter():
            pltpu.make_async_copy(
                rows.at[pl.ds(0, CH)], out_hbm.at[pl.ds(0, CH)], osem
            ).wait()

        def chunk(m, carry):
            buf = lax.rem(m, NBUF)
            xbuf = lax.rem(m, 4)
            eb = base + m * CH

            pltpu.make_async_copy(
                x2_hbm.at[pl.ds(0, CH), :], xv.at[pl.ds(0, CH), :], xsem
            ).wait()

            @pl.when(m + 3 < NCH)
            def _():
                pltpu.async_copy(
                    x2_hbm.at[pl.ds(eb + 3 * CH, CH), :],
                    xv.at[pl.ds(lax.rem(m + 3, 4) * CH, CH), :],
                    xsem,
                )

            @pl.when(m >= NBUF)
            def _():
                wait_scatter()

            zero = lane * 0
            for t in range(CH // 16):
                rowi = lane + (xbuf * CH + t * 16)
                a = plsc.load_gather(xv, [rowi, zero])
                b = plsc.load_gather(xv, [rowi, zero + 1])
                c = plsc.load_gather(xv, [rowi, zero + 2])
                a = lax.min(lax.max(a, 0), V0 - 1)
                b = lax.min(lax.max(b, 0), V1 - 1)
                c = lax.min(lax.max(c, 0), V2 - 1)
                codev[pl.ds(buf * CH + t * 16, 16)] = (
                    a * (V1 * V2) + b * V2 + c
                )

            pltpu.async_copy(
                tcv.at[codev.at[pl.ds(buf * CH, CH)]],
                rows.at[pl.ds(buf * CH, CH)],
                gsem,
            )

            @pl.when(m >= 1)
            def _():
                wait_gather()
                prev = lax.rem(m - 1, NBUF)
                pltpu.async_copy(
                    rows.at[pl.ds(prev * CH, CH)],
                    out_hbm.at[pl.ds(eb - CH, CH)],
                    osem,
                )

            return carry

        lax.fori_loop(0, NCH, chunk, 0)

        wait_gather()
        lastbuf = (NCH - 1) % NBUF
        pltpu.async_copy(
            rows.at[pl.ds(lastbuf * CH, CH)],
            out_hbm.at[pl.ds(base + (NCH - 1) * CH, CH)],
            osem,
        )
        for _ in range(NBUF):
            wait_scatter()

    return lookup


def kernel(x, W0, W1, W2):
    E = x.shape[0]
    tcomb = _combine_tables(W0, W1, W2)
    return _make_sc_lookup(E)(tcomb, x.astype(jnp.int32))

# --- scband reference (transcript-rebuilt; emitter-appended) ---
"""Pipeline reference for scband-bond-embedding-3831110828524 (READ-ONLY COPY).

The authoritative reference and input builder live on the scoring server;
editing this copy changes nothing except your own understanding.
"""

import jax, jax.numpy as jnp
import numpy as np

BOND_FEATURE_DIMS = [5, 6, 2]
EMB_DIM = 128
E = 320000


def _xavier_uniform(key, shape):
    fan_in, fan_out = shape[0], shape[1]
    a = float(np.sqrt(6.0 / (fan_in + fan_out)))
    return jax.random.uniform(key, shape, dtype=jnp.float32, minval=-a, maxval=a)


def setup_inputs(seed: int = 0) -> dict:
    key = jax.random.key(seed)
    kx, k0, k1, k2 = jax.random.split(key, 4)
    x = jax.random.randint(kx, (E, len(BOND_FEATURE_DIMS)), 0, 2)
    W0 = _xavier_uniform(k0, (BOND_FEATURE_DIMS[0], EMB_DIM))
    W1 = _xavier_uniform(k1, (BOND_FEATURE_DIMS[1], EMB_DIM))
    W2 = _xavier_uniform(k2, (BOND_FEATURE_DIMS[2], EMB_DIM))
    return {"x": x, "W0": W0, "W1": W1, "W2": W2}


def reference(x, W0, W1, W2):
    # BondEmbedding.forward: sum of per-feature embedding lookups
    x_embedding = jnp.take(W0, x[:, 0], axis=0)
    x_embedding = x_embedding + jnp.take(W1, x[:, 1], axis=0)
    x_embedding = x_embedding + jnp.take(W2, x[:, 2], axis=0)
    return x_embedding

if __name__ == "__main__":
    import jax
    _d = setup_inputs()
    print(jax.jit(kernel)(*tuple(_d.values())))

</pallas_src>

<mosaic_0001>
#map = affine_map<(d0, d1) -> (0, 0)>
module attributes {stable_mosaic.version = 14 : i64} {
  func.func @lookup(%arg0: i32, %arg1: i32, %arg2: memref<64x128xf32, #tpu.memory_space<hbm>>, %arg3: memref<320000x3xi32, #tpu.memory_space<hbm>>, %arg4: memref<320000x128xf32, #tpu.memory_space<hbm>>, %arg5: memref<64x128xf32, #tpu.memory_space<vmem_shared>>, %arg6: memref<320x3xi32, #tpu.memory_space<vmem>>, %arg7: memref<480xi32, #tpu.memory_space<vmem>>, %arg8: memref<480x128xf32, #tpu.memory_space<vmem>>, %arg9: memref<!tpu.dma_semaphore, #tpu.memory_space<semaphore_mem>>, %arg10: memref<!tpu.dma_semaphore, #tpu.memory_space<semaphore_mem>>, %arg11: memref<!tpu.dma_semaphore, #tpu.memory_space<semaphore_mem>>) attributes {dimension_semantics = [#tpu.dimension_semantics<core_parallel>, #tpu.dimension_semantics<subcore_parallel>], iteration_bounds = array<i64: 2, 16>, scalar_prefetch = 0 : i64, scratch_operands = 7 : i64, tpu.core_type = #tpu.core_type<sc_vector_subcore>, window_params = [{transform_indices = #map}, {transform_indices = #map}, {transform_indices = #map}]} {
    %mul3A = arith.constant 2 : i32
    %mul3A_0 = arith.muli %arg1, %mul3A : i32
    %add3A = arith.addi %mul3A_0, %arg0 : i32
    %mul3A_1 = arith.constant 10000 : i32
    %mul3A_2 = arith.muli %add3A, %mul3A_1 : i32
    %iota3A = tpu.iota {dimensions = array<i32: 0>} : vector<16xi32>
    %eq3A = arith.constant 0 : i32
    %eq3A_3 = arith.cmpi eq, %arg1, %eq3A : i32
    %convert_element_type3A = arith.extui %eq3A_3 : i1 to i32
    %cond3A = arith.constant 0 : i32
    %cond3A_4 = arith.cmpi ne, %convert_element_type3A, %cond3A : i32
    scf.if %cond3A_4 {
      "tpu.region"() ({
        %run_scoped3A = tpu.sem_alloc : memref<!tpu.dma_semaphore, #tpu.memory_space<semaphore_mem>>
        tpu.enqueue_dma source(%arg2 : memref<64x128xf32, #tpu.memory_space<hbm>>) target(%arg5 : memref<64x128xf32, #tpu.memory_space<vmem_shared>>) target_semaphore(%run_scoped3A : memref<!tpu.dma_semaphore, #tpu.memory_space<semaphore_mem>>)
        tpu.wait_dma2 semaphore(%run_scoped3A : memref<!tpu.dma_semaphore, #tpu.memory_space<semaphore_mem>>) src(%arg2 : memref<64x128xf32, #tpu.memory_space<hbm>>) dst(%arg5 : memref<64x128xf32, #tpu.memory_space<vmem_shared>>)
        tpu.yield
      }) : () -> ()
    } else {
    }
    %barrier3A = arith.constant 0 : index
    tpu.barrier barrier_id(%barrier3A)
    %add3A_5 = arith.constant 0 : i32
    %add3A_6 = arith.addi %mul3A_2, %add3A_5 : i32
    %dma_start3A = arith.constant 0 : i32
    %dma_start3A_7 = arith.constant 0 : i32
    %dma_start3A_8 = tpu.memref_slice %arg6[%dma_start3A, %dma_start3A_7] : memref<320x3xi32, #tpu.memory_space<vmem>> -> memref<80x3xi32, #tpu.memory_space<vmem>>
    %dma_start3A_9 = arith.constant 0 : i32
    %dma_start3A_10 = tpu.memref_slice %arg3[%add3A_6, %dma_start3A_9] : memref<320000x3xi32, #tpu.memory_space<hbm>> -> memref<80x3xi32, #tpu.memory_space<hbm>>
    %dma_start3A_11 = arith.constant 0 : i32
    %dma_start3A_12 = arith.constant 0 : i32
    %dma_start3A_13 = tpu.memref_slice %arg6[%dma_start3A_11, %dma_start3A_12] : memref<320x3xi32, #tpu.memory_space<vmem>> -> memref<80x3xi32, #tpu.memory_space<vmem>>
    %dma_start3A_14 = arith.constant 0 : i32
    %dma_start3A_15 = tpu.memref_slice %arg3[%add3A_6, %dma_start3A_14] : memref<320000x3xi32, #tpu.memory_space<hbm>> -> memref<80x3xi32, #tpu.memory_space<hbm>>
    tpu.enqueue_dma source(%dma_start3A_15 : memref<80x3xi32, #tpu.memory_space<hbm>>) target(%dma_start3A_13 : memref<80x3xi32, #tpu.memory_space<vmem>>) target_semaphore(%arg9 : memref<!tpu.dma_semaphore, #tpu.memory_space<semaphore_mem>>)
    %add3A_16 = arith.constant 80 : i32
    %add3A_17 = arith.addi %mul3A_2, %add3A_16 : i32
    %dma_start3A_18 = arith.constant 80 : i32
    %dma_start3A_19 = arith.constant 0 : i32
    %dma_start3A_20 = tpu.memref_slice %arg6[%dma_start3A_18, %dma_start3A_19] : memref<320x3xi32, #tpu.memory_space<vmem>> -> memref<80x3xi32, #tpu.memory_space<vmem>>
    %dma_start3A_21 = arith.constant 0 : i32
    %dma_start3A_22 = tpu.memref_slice %arg3[%add3A_17, %dma_start3A_21] : memref<320000x3xi32, #tpu.memory_space<hbm>> -> memref<80x3xi32, #tpu.memory_space<hbm>>
    %dma_start3A_23 = arith.constant 80 : i32
    %dma_start3A_24 = arith.constant 0 : i32
    %dma_start3A_25 = tpu.memref_slice %arg6[%dma_start3A_23, %dma_start3A_24] : memref<320x3xi32, #tpu.memory_space<vmem>> -> memref<80x3xi32, #tpu.memory_space<vmem>>
    %dma_start3A_26 = arith.constant 0 : i32
    %dma_start3A_27 = tpu.memref_slice %arg3[%add3A_17, %dma_start3A_26] : memref<320000x3xi32, #tpu.memory_space<hbm>> -> memref<80x3xi32, #tpu.memory_space<hbm>>
    tpu.enqueue_dma source(%dma_start3A_27 : memref<80x3xi32, #tpu.memory_space<hbm>>) target(%dma_start3A_25 : memref<80x3xi32, #tpu.memory_space<vmem>>) target_semaphore(%arg9 : memref<!tpu.dma_semaphore, #tpu.memory_space<semaphore_mem>>)
    %add3A_28 = arith.constant 160 : i32
    %add3A_29 = arith.addi %mul3A_2, %add3A_28 : i32
    %dma_start3A_30 = arith.constant 160 : i32
    %dma_start3A_31 = arith.constant 0 : i32
    %dma_start3A_32 = tpu.memref_slice %arg6[%dma_start3A_30, %dma_start3A_31] : memref<320x3xi32, #tpu.memory_space<vmem>> -> memref<80x3xi32, #tpu.memory_space<vmem>>
    %dma_start3A_33 = arith.constant 0 : i32
    %dma_start3A_34 = tpu.memref_slice %arg3[%add3A_29, %dma_start3A_33] : memref<320000x3xi32, #tpu.memory_space<hbm>> -> memref<80x3xi32, #tpu.memory_space<hbm>>
    %dma_start3A_35 = arith.constant 160 : i32
    %dma_start3A_36 = arith.constant 0 : i32
    %dma_start3A_37 = tpu.memref_slice %arg6[%dma_start3A_35, %dma_start3A_36] : memref<320x3xi32, #tpu.memory_space<vmem>> -> memref<80x3xi32, #tpu.memory_space<vmem>>
    %dma_start3A_38 = arith.constant 0 : i32
    %dma_start3A_39 = tpu.memref_slice %arg3[%add3A_29, %dma_start3A_38] : memref<320000x3xi32, #tpu.memory_space<hbm>> -> memref<80x3xi32, #tpu.memory_space<hbm>>
    tpu.enqueue_dma source(%dma_start3A_39 : memref<80x3xi32, #tpu.memory_space<hbm>>) target(%dma_start3A_37 : memref<80x3xi32, #tpu.memory_space<vmem>>) target_semaphore(%arg9 : memref<!tpu.dma_semaphore, #tpu.memory_space<semaphore_mem>>)
    %scan3A = arith.constant 0 : i32
    %scan3A_40 = arith.constant 0 : i32
    %scan3A_41 = arith.constant 125 : i32
    %scan3A_42 = arith.addi %scan3A_40, %scan3A_41 : i32
    %scan3A_43 = arith.constant 1 : i32
    scf.for %scan3A_136 = %scan3A_40 to %scan3A_42 step %scan3A_43  : i32 {
      %rem3A = arith.constant 6 : i32
      %rem3A_137 = arith.remsi %scan3A_136, %rem3A : i32
      %rem3A_138 = arith.constant 4 : i32
      %rem3A_139 = arith.remsi %scan3A_136, %rem3A_138 : i32
      %mul3A_140 = arith.constant 80 : i32
      %mul3A_141 = arith.muli %scan3A_136, %mul3A_140 : i32
      %add3A_142 = arith.addi %mul3A_2, %mul3A_141 : i32
      %dma_wait3A_143 = arith.constant 0 : i32
      %dma_wait3A_144 = arith.constant 0 : i32
      %dma_wait3A_145 = tpu.memref_slice %arg6[%dma_wait3A_143, %dma_wait3A_144] : memref<320x3xi32, #tpu.memory_space<vmem>> -> memref<80x3xi32, #tpu.memory_space<vmem>>
      %dma_wait3A_146 = arith.constant 0 : i32
      %dma_wait3A_147 = arith.constant 0 : i32
      %dma_wait3A_148 = tpu.memref_slice %arg3[%dma_wait3A_146, %dma_wait3A_147] : memref<320000x3xi32, #tpu.memory_space<hbm>> -> memref<80x3xi32, #tpu.memory_space<hbm>>
      %dma_wait3A_149 = arith.constant 0 : i32
      %dma_wait3A_150 = arith.constant 0 : i32
      %dma_wait3A_151 = tpu.memref_slice %arg6[%dma_wait3A_149, %dma_wait3A_150] : memref<320x3xi32, #tpu.memory_space<vmem>> -> memref<80x3xi32, #tpu.memory_space<vmem>>
      %dma_wait3A_152 = arith.constant 0 : i32
      %dma_wait3A_153 = arith.constant 0 : i32
      %dma_wait3A_154 = tpu.memref_slice %arg3[%dma_wait3A_152, %dma_wait3A_153] : memref<320000x3xi32, #tpu.memory_space<hbm>> -> memref<80x3xi32, #tpu.memory_space<hbm>>
      tpu.wait_dma2 semaphore(%arg9 : memref<!tpu.dma_semaphore, #tpu.memory_space<semaphore_mem>>) src(%dma_wait3A_154 : memref<80x3xi32, #tpu.memory_space<hbm>>) dst(%dma_wait3A_151 : memref<80x3xi32, #tpu.memory_space<vmem>>)
      %add3A_155 = arith.constant 3 : i32
      %add3A_156 = arith.addi %scan3A_136, %add3A_155 : i32
      %lt3A = arith.constant 125 : i32
      %lt3A_157 = arith.cmpi slt, %add3A_156, %lt3A : i32
      %convert_element_type3A_158 = arith.extui %lt3A_157 : i1 to i32
      %cond3A_159 = arith.constant 0 : i32
      %cond3A_160 = arith.cmpi ne, %convert_element_type3A_158, %cond3A_159 : i32
      scf.if %cond3A_160 {
        %add3A_414 = arith.constant 240 : i32
        %add3A_415 = arith.addi %add3A_142, %add3A_414 : i32
        %add3A_416 = arith.constant 3 : i32
        %add3A_417 = arith.addi %scan3A_136, %add3A_416 : i32
        %rem3A_418 = arith.constant 4 : i32
        %rem3A_419 = arith.remsi %add3A_417, %rem3A_418 : i32
        %mul3A_420 = arith.constant 80 : i32
        %mul3A_421 = arith.muli %rem3A_419, %mul3A_420 : i32
        %dma_start3A_422 = arith.constant 0 : i32
        %dma_start3A_423 = tpu.memref_slice %arg6[%mul3A_421, %dma_start3A_422] : memref<320x3xi32, #tpu.memory_space<vmem>> -> memref<80x3xi32, #tpu.memory_space<vmem>>
        %dma_start3A_424 = arith.constant 0 : i32
        %dma_start3A_425 = tpu.memref_slice %arg3[%add3A_415, %dma_start3A_424] : memref<320000x3xi32, #tpu.memory_space<hbm>> -> memref<80x3xi32, #tpu.memory_space<hbm>>
        %dma_start3A_426 = arith.constant 0 : i32
        %dma_start3A_427 = tpu.memref_slice %arg6[%mul3A_421, %dma_start3A_426] : memref<320x3xi32, #tpu.memory_space<vmem>> -> memref<80x3xi32, #tpu.memory_space<vmem>>
        %dma_start3A_428 = arith.constant 0 : i32
        %dma_start3A_429 = tpu.memref_slice %arg3[%add3A_415, %dma_start3A_428] : memref<320000x3xi32, #tpu.memory_space<hbm>> -> memref<80x3xi32, #tpu.memory_space<hbm>>
        tpu.enqueue_dma source(%dma_start3A_429 : memref<80x3xi32, #tpu.memory_space<hbm>>) target(%dma_start3A_427 : memref<80x3xi32, #tpu.memory_space<vmem>>) target_semaphore(%arg9 : memref<!tpu.dma_semaphore, #tpu.memory_space<semaphore_mem>>)
      } else {
      }
      %ge3A = arith.constant 6 : i32
      %ge3A_161 = arith.cmpi sge, %scan3A_136, %ge3A : i32
      %convert_element_type3A_162 = arith.extui %ge3A_161 : i1 to i32
      %cond3A_163 = arith.constant 0 : i32
      %cond3A_164 = arith.cmpi ne, %convert_element_type3A_162, %cond3A_163 : i32
      scf.if %cond3A_164 {
        %dma_wait3A_414 = arith.constant 0 : i32
        %dma_wait3A_415 = arith.constant 0 : i32
        %dma_wait3A_416 = tpu.memref_slice %arg8[%dma_wait3A_414, %dma_wait3A_415] : memref<480x128xf32, #tpu.memory_space<vmem>> -> memref<80x128xf32, #tpu.memory_space<vmem>>
        %dma_wait3A_417 = arith.constant 0 : i32
        %dma_wait3A_418 = arith.constant 0 : i32
        %dma_wait3A_419 = tpu.memref_slice %arg4[%dma_wait3A_417, %dma_wait3A_418] : memref<320000x128xf32, #tpu.memory_space<hbm>> -> memref<80x128xf32, #tpu.memory_space<hbm>>
        %dma_wait3A_420 = arith.constant 0 : i32
        %dma_wait3A_421 = arith.constant 0 : i32
        %dma_wait3A_422 = tpu.memref_slice %arg4[%dma_wait3A_420, %dma_wait3A_421] : memref<320000x128xf32, #tpu.memory_space<hbm>> -> memref<80x128xf32, #tpu.memory_space<hbm>>
        %dma_wait3A_423 = arith.constant 0 : i32
        %dma_wait3A_424 = arith.constant 0 : i32
        %dma_wait3A_425 = tpu.memref_slice %arg8[%dma_wait3A_423, %dma_wait3A_424] : memref<480x128xf32, #tpu.memory_space<vmem>> -> memref<80x128xf32, #tpu.memory_space<vmem>>
        tpu.wait_dma2 semaphore(%arg11 : memref<!tpu.dma_semaphore, #tpu.memory_space<semaphore_mem>>) src(%dma_wait3A_425 : memref<80x128xf32, #tpu.memory_space<vmem>>) dst(%dma_wait3A_422 : memref<80x128xf32, #tpu.memory_space<hbm>>)
      } else {
      }
      %mul3A_165 = arith.constant 0 : i32
      %mul3A_166 = vector.broadcast %mul3A_165 : i32 to vector<16xi32>
      %mul3A_167 = arith.muli %iota3A, %mul3A_166 : vector<16xi32>
      %mul3A_168 = arith.constant 80 : i32
      %mul3A_169 = arith.muli %rem3A_139, %mul3A_168 : i32
      %add3A_170 = arith.constant 0 : i32
      %add3A_171 = arith.addi %mul3A_169, %add3A_170 : i32
      %add3A_172 = vector.broadcast %add3A_171 : i32 to vector<16xi32>
      %add3A_173 = arith.addi %iota3A, %add3A_172 : vector<16xi32>
      %gather3A = tpu.vector_load_idx %arg6[%add3A_173, %mul3A_167] : memref<320x3xi32, #tpu.memory_space<vmem>>[vector<16xi32>, vector<16xi32>], vector<16xi32>,
      %add3A_174 = arith.constant 1 : i32
      %add3A_175 = vector.broadcast %add3A_174 : i32 to vector<16xi32>
      %add3A_176 = arith.addi %mul3A_167, %add3A_175 : vector<16xi32>
      %gather3A_177 = tpu.vector_load_idx %arg6[%add3A_173, %add3A_176] : memref<320x3xi32, #tpu.memory_space<vmem>>[vector<16xi32>, vector<16xi32>], vector<16xi32>,
      %add3A_178 = arith.constant 2 : i32
      %add3A_179 = vector.broadcast %add3A_178 : i32 to vector<16xi32>
      %add3A_180 = arith.addi %mul3A_167, %add3A_179 : vector<16xi32>
      %gather3A_181 = tpu.vector_load_idx %arg6[%add3A_173, %add3A_180] : memref<320x3xi32, #tpu.memory_space<vmem>>[vector<16xi32>, vector<16xi32>], vector<16xi32>,
      %max3A = arith.constant 0 : i32
      %max3A_182 = vector.broadcast %max3A : i32 to vector<16xi32>
      %max3A_183 = arith.maxsi %gather3A, %max3A_182 : vector<16xi32>
      %min3A = arith.constant 4 : i32
      %min3A_184 = vector.broadcast %min3A : i32 to vector<16xi32>
      %min3A_185 = arith.minsi %max3A_183, %min3A_184 : vector<16xi32>
      %max3A_186 = arith.constant 0 : i32
      %max3A_187 = vector.broadcast %max3A_186 : i32 to vector<16xi32>
      %max3A_188 = arith.maxsi %gather3A_177, %max3A_187 : vector<16xi32>
      %min3A_189 = arith.constant 5 : i32
      %min3A_190 = vector.broadcast %min3A_189 : i32 to vector<16xi32>
      %min3A_191 = arith.minsi %max3A_188, %min3A_190 : vector<16xi32>
      %max3A_192 = arith.constant 0 : i32
      %max3A_193 = vector.broadcast %max3A_192 : i32 to vector<16xi32>
      %max3A_194 = arith.maxsi %gather3A_181, %max3A_193 : vector<16xi32>
      %min3A_195 = arith.constant 1 : i32
      %min3A_196 = vector.broadcast %min3A_195 : i32 to vector<16xi32>
      %min3A_197 = arith.minsi %max3A_194, %min3A_196 : vector<16xi32>
      %mul3A_198 = arith.constant 12 : i32
      %mul3A_199 = vector.broadcast %mul3A_198 : i32 to vector<16xi32>
      %mul3A_200 = arith.muli %min3A_185, %mul3A_199 : vector<16xi32>
      %mul3A_201 = arith.constant 2 : i32
      %mul3A_202 = vector.broadcast %mul3A_201 : i32 to vector<16xi32>
      %mul3A_203 = arith.muli %min3A_191, %mul3A_202 : vector<16xi32>
      %add3A_204 = arith.addi %mul3A_200, %mul3A_203 : vector<16xi32>
      %add3A_205 = arith.addi %add3A_204, %min3A_197 : vector<16xi32>
      %mul3A_206 = arith.constant 80 : i32
      %mul3A_207 = arith.muli %rem3A_137, %mul3A_206 : i32
      %add3A_208 = arith.constant 0 : i32
      %add3A_209 = arith.addi %mul3A_207, %add3A_208 : i32
      %swap3A = arith.index_cast %add3A_209 : i32 to index
      %swap3A_210 = tpu.vector_load %arg7[%swap3A] {strides = array<i32>} : memref<480xi32, #tpu.memory_space<vmem>>, vector<16xi32>,
      tpu.vector_store %arg7[%swap3A], %add3A_205 {strides = array<i32>} : memref<480xi32, #tpu.memory_space<vmem>>, vector<16xi32>,
      %mul3A_211 = arith.constant 80 : i32
      %mul3A_212 = arith.muli %rem3A_139, %mul3A_211 : i32
      %add3A_213 = arith.constant 16 : i32
      %add3A_214 = arith.addi %mul3A_212, %add3A_213 : i32
      %add3A_215 = vector.broadcast %add3A_214 : i32 to vector<16xi32>
      %add3A_216 = arith.addi %iota3A, %add3A_215 : vector<16xi32>
      %gather3A_217 = tpu.vector_load_idx %arg6[%add3A_216, %mul3A_167] : memref<320x3xi32, #tpu.memory_space<vmem>>[vector<16xi32>, vector<16xi32>], vector<16xi32>,
      %add3A_218 = arith.constant 1 : i32
      %add3A_219 = vector.broadcast %add3A_218 : i32 to vector<16xi32>
      %add3A_220 = arith.addi %mul3A_167, %add3A_219 : vector<16xi32>
      %gather3A_221 = tpu.vector_load_idx %arg6[%add3A_216, %add3A_220] : memref<320x3xi32, #tpu.memory_space<vmem>>[vector<16xi32>, vector<16xi32>], vector<16xi32>,
      %add3A_222 = arith.constant 2 : i32
      %add3A_223 = vector.broadcast %add3A_222 : i32 to vector<16xi32>
      %add3A_224 = arith.addi %mul3A_167, %add3A_223 : vector<16xi32>
      %gather3A_225 = tpu.vector_load_idx %arg6[%add3A_216, %add3A_224] : memref<320x3xi32, #tpu.memory_space<vmem>>[vector<16xi32>, vector<16xi32>], vector<16xi32>,
      %max3A_226 = arith.constant 0 : i32
      %max3A_227 = vector.broadcast %max3A_226 : i32 to vector<16xi32>
      %max3A_228 = arith.maxsi %gather3A_217, %max3A_227 : vector<16xi32>
      %min3A_229 = arith.constant 4 : i32
      %min3A_230 = vector.broadcast %min3A_229 : i32 to vector<16xi32>
      %min3A_231 = arith.minsi %max3A_228, %min3A_230 : vector<16xi32>
      %max3A_232 = arith.constant 0 : i32
      %max3A_233 = vector.broadcast %max3A_232 : i32 to vector<16xi32>
      %max3A_234 = arith.maxsi %gather3A_221, %max3A_233 : vector<16xi32>
      %min3A_235 = arith.constant 5 : i32
      %min3A_236 = vector.broadcast %min3A_235 : i32 to vector<16xi32>
      %min3A_237 = arith.minsi %max3A_234, %min3A_236 : vector<16xi32>
      %max3A_238 = arith.constant 0 : i32
      %max3A_239 = vector.broadcast %max3A_238 : i32 to vector<16xi32>
      %max3A_240 = arith.maxsi %gather3A_225, %max3A_239 : vector<16xi32>
      %min3A_241 = arith.constant 1 : i32
      %min3A_242 = vector.broadcast %min3A_241 : i32 to vector<16xi32>
      %min3A_243 = arith.minsi %max3A_240, %min3A_242 : vector<16xi32>
      %mul3A_244 = arith.constant 12 : i32
      %mul3A_245 = vector.broadcast %mul3A_244 : i32 to vector<16xi32>
      %mul3A_246 = arith.muli %min3A_231, %mul3A_245 : vector<16xi32>
      %mul3A_247 = arith.constant 2 : i32
      %mul3A_248 = vector.broadcast %mul3A_247 : i32 to vector<16xi32>
      %mul3A_249 = arith.muli %min3A_237, %mul3A_248 : vector<16xi32>
      %add3A_250 = arith.addi %mul3A_246, %mul3A_249 : vector<16xi32>
      %add3A_251 = arith.addi %add3A_250, %min3A_243 : vector<16xi32>
      %mul3A_252 = arith.constant 80 : i32
      %mul3A_253 = arith.muli %rem3A_137, %mul3A_252 : i32
      %add3A_254 = arith.constant 16 : i32
      %add3A_255 = arith.addi %mul3A_253, %add3A_254 : i32
      %swap3A_256 = arith.index_cast %add3A_255 : i32 to index
      %swap3A_257 = tpu.vector_load %arg7[%swap3A_256] {strides = array<i32>} : memref<480xi32, #tpu.memory_space<vmem>>, vector<16xi32>,
      tpu.vector_store %arg7[%swap3A_256], %add3A_251 {strides = array<i32>} : memref<480xi32, #tpu.memory_space<vmem>>, vector<16xi32>,
      %mul3A_258 = arith.constant 80 : i32
      %mul3A_259 = arith.muli %rem3A_139, %mul3A_258 : i32
      %add3A_260 = arith.constant 32 : i32
      %add3A_261 = arith.addi %mul3A_259, %add3A_260 : i32
      %add3A_262 = vector.broadcast %add3A_261 : i32 to vector<16xi32>
      %add3A_263 = arith.addi %iota3A, %add3A_262 : vector<16xi32>
      %gather3A_264 = tpu.vector_load_idx %arg6[%add3A_263, %mul3A_167] : memref<320x3xi32, #tpu.memory_space<vmem>>[vector<16xi32>, vector<16xi32>], vector<16xi32>,
      %add3A_265 = arith.constant 1 : i32
      %add3A_266 = vector.broadcast %add3A_265 : i32 to vector<16xi32>
      %add3A_267 = arith.addi %mul3A_167, %add3A_266 : vector<16xi32>
      %gather3A_268 = tpu.vector_load_idx %arg6[%add3A_263, %add3A_267] : memref<320x3xi32, #tpu.memory_space<vmem>>[vector<16xi32>, vector<16xi32>], vector<16xi32>,
      %add3A_269 = arith.constant 2 : i32
      %add3A_270 = vector.broadcast %add3A_269 : i32 to vector<16xi32>
      %add3A_271 = arith.addi %mul3A_167, %add3A_270 : vector<16xi32>
      %gather3A_272 = tpu.vector_load_idx %arg6[%add3A_263, %add3A_271] : memref<320x3xi32, #tpu.memory_space<vmem>>[vector<16xi32>, vector<16xi32>], vector<16xi32>,
      %max3A_273 = arith.constant 0 : i32
      %max3A_274 = vector.broadcast %max3A_273 : i32 to vector<16xi32>
      %max3A_275 = arith.maxsi %gather3A_264, %max3A_274 : vector<16xi32>
      %min3A_276 = arith.constant 4 : i32
      %min3A_277 = vector.broadcast %min3A_276 : i32 to vector<16xi32>
      %min3A_278 = arith.minsi %max3A_275, %min3A_277 : vector<16xi32>
      %max3A_279 = arith.constant 0 : i32
      %max3A_280 = vector.broadcast %max3A_279 : i32 to vector<16xi32>
      %max3A_281 = arith.maxsi %gather3A_268, %max3A_280 : vector<16xi32>
      %min3A_282 = arith.constant 5 : i32
      %min3A_283 = vector.broadcast %min3A_282 : i32 to vector<16xi32>
      %min3A_284 = arith.minsi %max3A_281, %min3A_283 : vector<16xi32>
      %max3A_285 = arith.constant 0 : i32
      %max3A_286 = vector.broadcast %max3A_285 : i32 to vector<16xi32>
      %max3A_287 = arith.maxsi %gather3A_272, %max3A_286 : vector<16xi32>
      %min3A_288 = arith.constant 1 : i32
      %min3A_289 = vector.broadcast %min3A_288 : i32 to vector<16xi32>
      %min3A_290 = arith.minsi %max3A_287, %min3A_289 : vector<16xi32>
      %mul3A_291 = arith.constant 12 : i32
      %mul3A_292 = vector.broadcast %mul3A_291 : i32 to vector<16xi32>
      %mul3A_293 = arith.muli %min3A_278, %mul3A_292 : vector<16xi32>
      %mul3A_294 = arith.constant 2 : i32
      %mul3A_295 = vector.broadcast %mul3A_294 : i32 to vector<16xi32>
      %mul3A_296 = arith.muli %min3A_284, %mul3A_295 : vector<16xi32>
      %add3A_297 = arith.addi %mul3A_293, %mul3A_296 : vector<16xi32>
      %add3A_298 = arith.addi %add3A_297, %min3A_290 : vector<16xi32>
      %mul3A_299 = arith.constant 80 : i32
      %mul3A_300 = arith.muli %rem3A_137, %mul3A_299 : i32
      %add3A_301 = arith.constant 32 : i32
      %add3A_302 = arith.addi %mul3A_300, %add3A_301 : i32
      %swap3A_303 = arith.index_cast %add3A_302 : i32 to index
      %swap3A_304 = tpu.vector_load %arg7[%swap3A_303] {strides = array<i32>} : memref<480xi32, #tpu.memory_space<vmem>>, vector<16xi32>,
      tpu.vector_store %arg7[%swap3A_303], %add3A_298 {strides = array<i32>} : memref<480xi32, #tpu.memory_space<vmem>>, vector<16xi32>,
      %mul3A_305 = arith.constant 80 : i32
      %mul3A_306 = arith.muli %rem3A_139, %mul3A_305 : i32
      %add3A_307 = arith.constant 48 : i32
      %add3A_308 = arith.addi %mul3A_306, %add3A_307 : i32
      %add3A_309 = vector.broadcast %add3A_308 : i32 to vector<16xi32>
      %add3A_310 = arith.addi %iota3A, %add3A_309 : vector<16xi32>
      %gather3A_311 = tpu.vector_load_idx %arg6[%add3A_310, %mul3A_167] : memref<320x3xi32, #tpu.memory_space<vmem>>[vector<16xi32>, vector<16xi32>], vector<16xi32>,
      %add3A_312 = arith.constant 1 : i32
      %add3A_313 = vector.broadcast %add3A_312 : i32 to vector<16xi32>
      %add3A_314 = arith.addi %mul3A_167, %add3A_313 : vector<16xi32>
      %gather3A_315 = tpu.vector_load_idx %arg6[%add3A_310, %add3A_314] : memref<320x3xi32, #tpu.memory_space<vmem>>[vector<16xi32>, vector<16xi32>], vector<16xi32>,
      %add3A_316 = arith.constant 2 : i32
      %add3A_317 = vector.broadcast %add3A_316 : i32 to vector<16xi32>
      %add3A_318 = arith.addi %mul3A_167, %add3A_317 : vector<16xi32>
      %gather3A_319 = tpu.vector_load_idx %arg6[%add3A_310, %add3A_318] : memref<320x3xi32, #tpu.memory_space<vmem>>[vector<16xi32>, vector<16xi32>], vector<16xi32>,
      %max3A_320 = arith.constant 0 : i32
      %max3A_321 = vector.broadcast %max3A_320 : i32 to vector<16xi32>
      %max3A_322 = arith.maxsi %gather3A_311, %max3A_321 : vector<16xi32>
      %min3A_323 = arith.constant 4 : i32
      %min3A_324 = vector.broadcast %min3A_323 : i32 to vector<16xi32>
      %min3A_325 = arith.minsi %max3A_322, %min3A_324 : vector<16xi32>
      %max3A_326 = arith.constant 0 : i32
      %max3A_327 = vector.broadcast %max3A_326 : i32 to vector<16xi32>
      %max3A_328 = arith.maxsi %gather3A_315, %max3A_327 : vector<16xi32>
      %min3A_329 = arith.constant 5 : i32
      %min3A_330 = vector.broadcast %min3A_329 : i32 to vector<16xi32>
      %min3A_331 = arith.minsi %max3A_328, %min3A_330 : vector<16xi32>
      %max3A_332 = arith.constant 0 : i32
      %max3A_333 = vector.broadcast %max3A_332 : i32 to vector<16xi32>
      %max3A_334 = arith.maxsi %gather3A_319, %max3A_333 : vector<16xi32>
      %min3A_335 = arith.constant 1 : i32
      %min3A_336 = vector.broadcast %min3A_335 : i32 to vector<16xi32>
      %min3A_337 = arith.minsi %max3A_334, %min3A_336 : vector<16xi32>
      %mul3A_338 = arith.constant 12 : i32
      %mul3A_339 = vector.broadcast %mul3A_338 : i32 to vector<16xi32>
      %mul3A_340 = arith.muli %min3A_325, %mul3A_339 : vector<16xi32>
      %mul3A_341 = arith.constant 2 : i32
      %mul3A_342 = vector.broadcast %mul3A_341 : i32 to vector<16xi32>
      %mul3A_343 = arith.muli %min3A_331, %mul3A_342 : vector<16xi32>
      %add3A_344 = arith.addi %mul3A_340, %mul3A_343 : vector<16xi32>
      %add3A_345 = arith.addi %add3A_344, %min3A_337 : vector<16xi32>
      %mul3A_346 = arith.constant 80 : i32
      %mul3A_347 = arith.muli %rem3A_137, %mul3A_346 : i32
      %add3A_348 = arith.constant 48 : i32
      %add3A_349 = arith.addi %mul3A_347, %add3A_348 : i32
      %swap3A_350 = arith.index_cast %add3A_349 : i32 to index
      %swap3A_351 = tpu.vector_load %arg7[%swap3A_350] {strides = array<i32>} : memref<480xi32, #tpu.memory_space<vmem>>, vector<16xi32>,
      tpu.vector_store %arg7[%swap3A_350], %add3A_345 {strides = array<i32>} : memref<480xi32, #tpu.memory_space<vmem>>, vector<16xi32>,
      %mul3A_352 = arith.constant 80 : i32
      %mul3A_353 = arith.muli %rem3A_139, %mul3A_352 : i32
      %add3A_354 = arith.constant 64 : i32
      %add3A_355 = arith.addi %mul3A_353, %add3A_354 : i32
      %add3A_356 = vector.broadcast %add3A_355 : i32 to vector<16xi32>
      %add3A_357 = arith.addi %iota3A, %add3A_356 : vector<16xi32>
      %gather3A_358 = tpu.vector_load_idx %arg6[%add3A_357, %mul3A_167] : memref<320x3xi32, #tpu.memory_space<vmem>>[vector<16xi32>, vector<16xi32>], vector<16xi32>,
      %add3A_359 = arith.constant 1 : i32
      %add3A_360 = vector.broadcast %add3A_359 : i32 to vector<16xi32>
      %add3A_361 = arith.addi %mul3A_167, %add3A_360 : vector<16xi32>
      %gather3A_362 = tpu.vector_load_idx %arg6[%add3A_357, %add3A_361] : memref<320x3xi32, #tpu.memory_space<vmem>>[vector<16xi32>, vector<16xi32>], vector<16xi32>,
      %add3A_363 = arith.constant 2 : i32
      %add3A_364 = vector.broadcast %add3A_363 : i32 to vector<16xi32>
      %add3A_365 = arith.addi %mul3A_167, %add3A_364 : vector<16xi32>
      %gather3A_366 = tpu.vector_load_idx %arg6[%add3A_357, %add3A_365] : memref<320x3xi32, #tpu.memory_space<vmem>>[vector<16xi32>, vector<16xi32>], vector<16xi32>,
      %max3A_367 = arith.constant 0 : i32
      %max3A_368 = vector.broadcast %max3A_367 : i32 to vector<16xi32>
      %max3A_369 = arith.maxsi %gather3A_358, %max3A_368 : vector<16xi32>
      %min3A_370 = arith.constant 4 : i32
      %min3A_371 = vector.broadcast %min3A_370 : i32 to vector<16xi32>
      %min3A_372 = arith.minsi %max3A_369, %min3A_371 : vector<16xi32>
      %max3A_373 = arith.constant 0 : i32
      %max3A_374 = vector.broadcast %max3A_373 : i32 to vector<16xi32>
      %max3A_375 = arith.maxsi %gather3A_362, %max3A_374 : vector<16xi32>
      %min3A_376 = arith.constant 5 : i32
      %min3A_377 = vector.broadcast %min3A_376 : i32 to vector<16xi32>
      %min3A_378 = arith.minsi %max3A_375, %min3A_377 : vector<16xi32>
      %max3A_379 = arith.constant 0 : i32
      %max3A_380 = vector.broadcast %max3A_379 : i32 to vector<16xi32>
      %max3A_381 = arith.maxsi %gather3A_366, %max3A_380 : vector<16xi32>
      %min3A_382 = arith.constant 1 : i32
      %min3A_383 = vector.broadcast %min3A_382 : i32 to vector<16xi32>
      %min3A_384 = arith.minsi %max3A_381, %min3A_383 : vector<16xi32>
      %mul3A_385 = arith.constant 12 : i32
      %mul3A_386 = vector.broadcast %mul3A_385 : i32 to vector<16xi32>
      %mul3A_387 = arith.muli %min3A_372, %mul3A_386 : vector<16xi32>
      %mul3A_388 = arith.constant 2 : i32
      %mul3A_389 = vector.broadcast %mul3A_388 : i32 to vector<16xi32>
      %mul3A_390 = arith.muli %min3A_378, %mul3A_389 : vector<16xi32>
      %add3A_391 = arith.addi %mul3A_387, %mul3A_390 : vector<16xi32>
      %add3A_392 = arith.addi %add3A_391, %min3A_384 : vector<16xi32>
      %mul3A_393 = arith.constant 80 : i32
      %mul3A_394 = arith.muli %rem3A_137, %mul3A_393 : i32
      %add3A_395 = arith.constant 64 : i32
      %add3A_396 = arith.addi %mul3A_394, %add3A_395 : i32
      %swap3A_397 = arith.index_cast %add3A_396 : i32 to index
      %swap3A_398 = tpu.vector_load %arg7[%swap3A_397] {strides = array<i32>} : memref<480xi32, #tpu.memory_space<vmem>>, vector<16xi32>,
      tpu.vector_store %arg7[%swap3A_397], %add3A_392 {strides = array<i32>} : memref<480xi32, #tpu.memory_space<vmem>>, vector<16xi32>,
      %mul3A_399 = arith.constant 80 : i32
      %mul3A_400 = arith.muli %rem3A_137, %mul3A_399 : i32
      %mul3A_401 = arith.constant 80 : i32
      %mul3A_402 = arith.muli %rem3A_137, %mul3A_401 : i32
      %dma_start3A_403 = arith.constant 0 : i32
      %dma_start3A_404 = tpu.memref_slice %arg8[%mul3A_402, %dma_start3A_403] : memref<480x128xf32, #tpu.memory_space<vmem>> -> memref<80x128xf32, #tpu.memory_space<vmem>>
      %dma_start3A_405 = tpu.memref_slice %arg7[%mul3A_400] : memref<480xi32, #tpu.memory_space<vmem>> -> memref<80xi32, #tpu.memory_space<vmem>>
      %dma_start3A_406 = arith.constant 0 : i32
      %dma_start3A_407 = arith.constant 0 : i32
      %dma_start3A_408 = tpu.memref_slice %arg5[%dma_start3A_406, %dma_start3A_407] : memref<64x128xf32, #tpu.memory_space<vmem_shared>> -> memref<64x128xf32, #tpu.memory_space<vmem_shared>>
      tpu.enqueue_indirect_dma source(%dma_start3A_408 : memref<64x128xf32, #tpu.memory_space<vmem_shared>>) target(%dma_start3A_404 : memref<80x128xf32, #tpu.memory_space<vmem>>) offsets(%dma_start3A_405 : memref<80xi32, #tpu.memory_space<vmem>>) semaphore(%arg10 : memref<!tpu.dma_semaphore, #tpu.memory_space<semaphore_mem>>)
      %ge3A_409 = arith.constant 1 : i32
      %ge3A_410 = arith.cmpi sge, %scan3A_136, %ge3A_409 : i32
      %convert_element_type3A_411 = arith.extui %ge3A_410 : i1 to i32
      %cond3A_412 = arith.constant 0 : i32
      %cond3A_413 = arith.cmpi ne, %convert_element_type3A_411, %cond3A_412 : i32
      scf.if %cond3A_413 {
        %dma_wait3A_414 = arith.constant 0 : i32
        %dma_wait3A_415 = arith.constant 0 : i32
        %dma_wait3A_416 = tpu.memref_slice %arg8[%dma_wait3A_414, %dma_wait3A_415] : memref<480x128xf32, #tpu.memory_space<vmem>> -> memref<80x128xf32, #tpu.memory_space<vmem>>
        %dma_wait3A_417 = arith.constant 0 : i32
        %dma_wait3A_418 = tpu.memref_slice %arg7[%dma_wait3A_417] : memref<480xi32, #tpu.memory_space<vmem>> -> memref<80xi32, #tpu.memory_space<vmem>>
        %dma_wait3A_419 = arith.constant 0 : i32
        %dma_wait3A_420 = arith.constant 0 : i32
        %dma_wait3A_421 = tpu.memref_slice %arg5[%dma_wait3A_419, %dma_wait3A_420] : memref<64x128xf32, #tpu.memory_space<vmem_shared>> -> memref<64x128xf32, #tpu.memory_space<vmem_shared>>
        tpu.wait_indirect_dma semaphore(%arg10 : memref<!tpu.dma_semaphore, #tpu.memory_space<semaphore_mem>>) src(%dma_wait3A_421 : memref<64x128xf32, #tpu.memory_space<vmem_shared>>) dst(%dma_wait3A_416 : memref<80x128xf32, #tpu.memory_space<vmem>>)
        %sub3A = arith.constant 1 : i32
        %sub3A_422 = arith.subi %scan3A_136, %sub3A : i32
        %rem3A_423 = arith.constant 6 : i32
        %rem3A_424 = arith.remsi %sub3A_422, %rem3A_423 : i32
        %mul3A_425 = arith.constant 80 : i32
        %mul3A_426 = arith.muli %rem3A_424, %mul3A_425 : i32
        %sub3A_427 = arith.constant 80 : i32
        %sub3A_428 = arith.subi %add3A_142, %sub3A_427 : i32
        %dma_start3A_429 = arith.constant 0 : i32
        %dma_start3A_430 = tpu.memref_slice %arg8[%mul3A_426, %dma_start3A_429] : memref<480x128xf32, #tpu.memory_space<vmem>> -> memref<80x128xf32, #tpu.memory_space<vmem>>
        %dma_start3A_431 = arith.constant 0 : i32
        %dma_start3A_432 = tpu.memref_slice %arg4[%sub3A_428, %dma_start3A_431] : memref<320000x128xf32, #tpu.memory_space<hbm>> -> memref<80x128xf32, #tpu.memory_space<hbm>>
        %dma_start3A_433 = arith.constant 0 : i32
        %dma_start3A_434 = tpu.memref_slice %arg4[%sub3A_428, %dma_start3A_433] : memref<320000x128xf32, #tpu.memory_space<hbm>> -> memref<80x128xf32, #tpu.memory_space<hbm>>
        %dma_start3A_435 = arith.constant 0 : i32
        %dma_start3A_436 = tpu.memref_slice %arg8[%mul3A_426, %dma_start3A_435] : memref<480x128xf32, #tpu.memory_space<vmem>> -> memref<80x128xf32, #tpu.memory_space<vmem>>
        tpu.enqueue_dma source(%dma_start3A_436 : memref<80x128xf32, #tpu.memory_space<vmem>>) target(%dma_start3A_434 : memref<80x128xf32, #tpu.memory_space<hbm>>) target_semaphore(%arg11 : memref<!tpu.dma_semaphore, #tpu.memory_space<semaphore_mem>>)
      } else {
      }
    }
    %scan3A_44 = arith.constant 125 : i32
    %dma_wait3A = arith.constant 0 : i32
    %dma_wait3A_45 = arith.constant 0 : i32
    %dma_wait3A_46 = tpu.memref_slice %arg8[%dma_wait3A, %dma_wait3A_45] : memref<480x128xf32, #tpu.memory_space<vmem>> -> memref<80x128xf32, #tpu.memory_space<vmem>>
    %dma_wait3A_47 = arith.constant 0 : i32
    %dma_wait3A_48 = tpu.memref_slice %arg7[%dma_wait3A_47] : memref<480xi32, #tpu.memory_space<vmem>> -> memref<80xi32, #tpu.memory_space<vmem>>
    %dma_wait3A_49 = arith.constant 0 : i32
    %dma_wait3A_50 = arith.constant 0 : i32
    %dma_wait3A_51 = tpu.memref_slice %arg5[%dma_wait3A_49, %dma_wait3A_50] : memref<64x128xf32, #tpu.memory_space<vmem_shared>> -> memref<64x128xf32, #tpu.memory_space<vmem_shared>>
    tpu.wait_indirect_dma semaphore(%arg10 : memref<!tpu.dma_semaphore, #tpu.memory_space<semaphore_mem>>) src(%dma_wait3A_51 : memref<64x128xf32, #tpu.memory_space<vmem_shared>>) dst(%dma_wait3A_46 : memref<80x128xf32, #tpu.memory_space<vmem>>)
    %add3A_52 = arith.constant 9920 : i32
    %add3A_53 = arith.addi %mul3A_2, %add3A_52 : i32
    %dma_start3A_54 = arith.constant 320 : i32
    %dma_start3A_55 = arith.constant 0 : i32
    %dma_start3A_56 = tpu.memref_slice %arg8[%dma_start3A_54, %dma_start3A_55] : memref<480x128xf32, #tpu.memory_space<vmem>> -> memref<80x128xf32, #tpu.memory_space<vmem>>
    %dma_start3A_57 = arith.constant 0 : i32
    %dma_start3A_58 = tpu.memref_slice %arg4[%add3A_53, %dma_start3A_57] : memref<320000x128xf32, #tpu.memory_space<hbm>> -> memref<80x128xf32, #tpu.memory_space<hbm>>
    %dma_start3A_59 = arith.constant 0 : i32
    %dma_start3A_60 = tpu.memref_slice %arg4[%add3A_53, %dma_start3A_59] : memref<320000x128xf32, #tpu.memory_space<hbm>> -> memref<80x128xf32, #tpu.memory_space<hbm>>
    %dma_start3A_61 = arith.constant 320 : i32
    %dma_start3A_62 = arith.constant 0 : i32
    %dma_start3A_63 = tpu.memref_slice %arg8[%dma_start3A_61, %dma_start3A_62] : memref<480x128xf32, #tpu.memory_space<vmem>> -> memref<80x128xf32, #tpu.memory_space<vmem>>
    tpu.enqueue_dma source(%dma_start3A_63 : memref<80x128xf32, #tpu.memory_space<vmem>>) target(%dma_start3A_60 : memref<80x128xf32, #tpu.memory_space<hbm>>) target_semaphore(%arg11 : memref<!tpu.dma_semaphore, #tpu.memory_space<semaphore_mem>>)
    %dma_wait3A_64 = arith.constant 0 : i32
    %dma_wait3A_65 = arith.constant 0 : i32
    %dma_wait3A_66 = tpu.memref_slice %arg8[%dma_wait3A_64, %dma_wait3A_65] : memref<480x128xf32, #tpu.memory_space<vmem>> -> memref<80x128xf32, #tpu.memory_space<vmem>>
    %dma_wait3A_67 = arith.constant 0 : i32
    %dma_wait3A_68 = arith.constant 0 : i32
    %dma_wait3A_69 = tpu.memref_slice %arg4[%dma_wait3A_67, %dma_wait3A_68] : memref<320000x128xf32, #tpu.memory_space<hbm>> -> memref<80x128xf32, #tpu.memory_space<hbm>>
    %dma_wait3A_70 = arith.constant 0 : i32
    %dma_wait3A_71 = arith.constant 0 : i32
    %dma_wait3A_72 = tpu.memref_slice %arg4[%dma_wait3A_70, %dma_wait3A_71] : memref<320000x128xf32, #tpu.memory_space<hbm>> -> memref<80x128xf32, #tpu.memory_space<hbm>>
    %dma_wait3A_73 = arith.constant 0 : i32
    %dma_wait3A_74 = arith.constant 0 : i32
    %dma_wait3A_75 = tpu.memref_slice %arg8[%dma_wait3A_73, %dma_wait3A_74] : memref<480x128xf32, #tpu.memory_space<vmem>> -> memref<80x128xf32, #tpu.memory_space<vmem>>
    tpu.wait_dma2 semaphore(%arg11 : memref<!tpu.dma_semaphore, #tpu.memory_space<semaphore_mem>>) src(%dma_wait3A_75 : memref<80x128xf32, #tpu.memory_space<vmem>>) dst(%dma_wait3A_72 : memref<80x128xf32, #tpu.memory_space<hbm>>)
    %dma_wait3A_76 = arith.constant 0 : i32
    %dma_wait3A_77 = arith.constant 0 : i32
    %dma_wait3A_78 = tpu.memref_slice %arg8[%dma_wait3A_76, %dma_wait3A_77] : memref<480x128xf32, #tpu.memory_space<vmem>> -> memref<80x128xf32, #tpu.memory_space<vmem>>
    %dma_wait3A_79 = arith.constant 0 : i32
    %dma_wait3A_80 = arith.constant 0 : i32
    %dma_wait3A_81 = tpu.memref_slice %arg4[%dma_wait3A_79, %dma_wait3A_80] : memref<320000x128xf32, #tpu.memory_space<hbm>> -> memref<80x128xf32, #tpu.memory_space<hbm>>
    %dma_wait3A_82 = arith.constant 0 : i32
    %dma_wait3A_83 = arith.constant 0 : i32
    %dma_wait3A_84 = tpu.memref_slice %arg4[%dma_wait3A_82, %dma_wait3A_83] : memref<320000x128xf32, #tpu.memory_space<hbm>> -> memref<80x128xf32, #tpu.memory_space<hbm>>
    %dma_wait3A_85 = arith.constant 0 : i32
    %dma_wait3A_86 = arith.constant 0 : i32
    %dma_wait3A_87 = tpu.memref_slice %arg8[%dma_wait3A_85, %dma_wait3A_86] : memref<480x128xf32, #tpu.memory_space<vmem>> -> memref<80x128xf32, #tpu.memory_space<vmem>>
    tpu.wait_dma2 semaphore(%arg11 : memref<!tpu.dma_semaphore, #tpu.memory_space<semaphore_mem>>) src(%dma_wait3A_87 : memref<80x128xf32, #tpu.memory_space<vmem>>) dst(%dma_wait3A_84 : memref<80x128xf32, #tpu.memory_space<hbm>>)
    %dma_wait3A_88 = arith.constant 0 : i32
    %dma_wait3A_89 = arith.constant 0 : i32
    %dma_wait3A_90 = tpu.memref_slice %arg8[%dma_wait3A_88, %dma_wait3A_89] : memref<480x128xf32, #tpu.memory_space<vmem>> -> memref<80x128xf32, #tpu.memory_space<vmem>>
    %dma_wait3A_91 = arith.constant 0 : i32
    %dma_wait3A_92 = arith.constant 0 : i32
    %dma_wait3A_93 = tpu.memref_slice %arg4[%dma_wait3A_91, %dma_wait3A_92] : memref<320000x128xf32, #tpu.memory_space<hbm>> -> memref<80x128xf32, #tpu.memory_space<hbm>>
    %dma_wait3A_94 = arith.constant 0 : i32
    %dma_wait3A_95 = arith.constant 0 : i32
    %dma_wait3A_96 = tpu.memref_slice %arg4[%dma_wait3A_94, %dma_wait3A_95] : memref<320000x128xf32, #tpu.memory_space<hbm>> -> memref<80x128xf32, #tpu.memory_space<hbm>>
    %dma_wait3A_97 = arith.constant 0 : i32
    %dma_wait3A_98 = arith.constant 0 : i32
    %dma_wait3A_99 = tpu.memref_slice %arg8[%dma_wait3A_97, %dma_wait3A_98] : memref<480x128xf32, #tpu.memory_space<vmem>> -> memref<80x128xf32, #tpu.memory_space<vmem>>
    tpu.wait_dma2 semaphore(%arg11 : memref<!tpu.dma_semaphore, #tpu.memory_space<semaphore_mem>>) src(%dma_wait3A_99 : memref<80x128xf32, #tpu.memory_space<vmem>>) dst(%dma_wait3A_96 : memref<80x128xf32, #tpu.memory_space<hbm>>)
    %dma_wait3A_100 = arith.constant 0 : i32
    %dma_wait3A_101 = arith.constant 0 : i32
    %dma_wait3A_102 = tpu.memref_slice %arg8[%dma_wait3A_100, %dma_wait3A_101] : memref<480x128xf32, #tpu.memory_space<vmem>> -> memref<80x128xf32, #tpu.memory_space<vmem>>
    %dma_wait3A_103 = arith.constant 0 : i32
    %dma_wait3A_104 = arith.constant 0 : i32
    %dma_wait3A_105 = tpu.memref_slice %arg4[%dma_wait3A_103, %dma_wait3A_104] : memref<320000x128xf32, #tpu.memory_space<hbm>> -> memref<80x128xf32, #tpu.memory_space<hbm>>
    %dma_wait3A_106 = arith.constant 0 : i32
    %dma_wait3A_107 = arith.constant 0 : i32
    %dma_wait3A_108 = tpu.memref_slice %arg4[%dma_wait3A_106, %dma_wait3A_107] : memref<320000x128xf32, #tpu.memory_space<hbm>> -> memref<80x128xf32, #tpu.memory_space<hbm>>
    %dma_wait3A_109 = arith.constant 0 : i32
    %dma_wait3A_110 = arith.constant 0 : i32
    %dma_wait3A_111 = tpu.memref_slice %arg8[%dma_wait3A_109, %dma_wait3A_110] : memref<480x128xf32, #tpu.memory_space<vmem>> -> memref<80x128xf32, #tpu.memory_space<vmem>>
    tpu.wait_dma2 semaphore(%arg11 : memref<!tpu.dma_semaphore, #tpu.memory_space<semaphore_mem>>) src(%dma_wait3A_111 : memref<80x128xf32, #tpu.memory_space<vmem>>) dst(%dma_wait3A_108 : memref<80x128xf32, #tpu.memory_space<hbm>>)
    %dma_wait3A_112 = arith.constant 0 : i32
    %dma_wait3A_113 = arith.constant 0 : i32
    %dma_wait3A_114 = tpu.memref_slice %arg8[%dma_wait3A_112, %dma_wait3A_113] : memref<480x128xf32, #tpu.memory_space<vmem>> -> memref<80x128xf32, #tpu.memory_space<vmem>>
    %dma_wait3A_115 = arith.constant 0 : i32
    %dma_wait3A_116 = arith.constant 0 : i32
    %dma_wait3A_117 = tpu.memref_slice %arg4[%dma_wait3A_115, %dma_wait3A_116] : memref<320000x128xf32, #tpu.memory_space<hbm>> -> memref<80x128xf32, #tpu.memory_space<hbm>>
    %dma_wait3A_118 = arith.constant 0 : i32
    %dma_wait3A_119 = arith.constant 0 : i32
    %dma_wait3A_120 = tpu.memref_slice %arg4[%dma_wait3A_118, %dma_wait3A_119] : memref<320000x128xf32, #tpu.memory_space<hbm>> -> memref<80x128xf32, #tpu.memory_space<hbm>>
    %dma_wait3A_121 = arith.constant 0 : i32
    %dma_wait3A_122 = arith.constant 0 : i32
    %dma_wait3A_123 = tpu.memref_slice %arg8[%dma_wait3A_121, %dma_wait3A_122] : memref<480x128xf32, #tpu.memory_space<vmem>> -> memref<80x128xf32, #tpu.memory_space<vmem>>
    tpu.wait_dma2 semaphore(%arg11 : memref<!tpu.dma_semaphore, #tpu.memory_space<semaphore_mem>>) src(%dma_wait3A_123 : memref<80x128xf32, #tpu.memory_space<vmem>>) dst(%dma_wait3A_120 : memref<80x128xf32, #tpu.memory_space<hbm>>)
    %dma_wait3A_124 = arith.constant 0 : i32
    %dma_wait3A_125 = arith.constant 0 : i32
    %dma_wait3A_126 = tpu.memref_slice %arg8[%dma_wait3A_124, %dma_wait3A_125] : memref<480x128xf32, #tpu.memory_space<vmem>> -> memref<80x128xf32, #tpu.memory_space<vmem>>
    %dma_wait3A_127 = arith.constant 0 : i32
    %dma_wait3A_128 = arith.constant 0 : i32
    %dma_wait3A_129 = tpu.memref_slice %arg4[%dma_wait3A_127, %dma_wait3A_128] : memref<320000x128xf32, #tpu.memory_space<hbm>> -> memref<80x128xf32, #tpu.memory_space<hbm>>
    %dma_wait3A_130 = arith.constant 0 : i32
    %dma_wait3A_131 = arith.constant 0 : i32
    %dma_wait3A_132 = tpu.memref_slice %arg4[%dma_wait3A_130, %dma_wait3A_131] : memref<320000x128xf32, #tpu.memory_space<hbm>> -> memref<80x128xf32, #tpu.memory_space<hbm>>
    %dma_wait3A_133 = arith.constant 0 : i32
    %dma_wait3A_134 = arith.constant 0 : i32
    %dma_wait3A_135 = tpu.memref_slice %arg8[%dma_wait3A_133, %dma_wait3A_134] : memref<480x128xf32, #tpu.memory_space<vmem>> -> memref<80x128xf32, #tpu.memory_space<vmem>>
    tpu.wait_dma2 semaphore(%arg11 : memref<!tpu.dma_semaphore, #tpu.memory_space<semaphore_mem>>) src(%dma_wait3A_135 : memref<80x128xf32, #tpu.memory_space<vmem>>) dst(%dma_wait3A_132 : memref<80x128xf32, #tpu.memory_space<hbm>>)
    return
  }
}

module attributes {stable_mosaic.version = 14 : i64} {
  func.func @_combine_body(%arg0: memref<5x128xf32, #tpu.memory_space<vmem>>, %arg1: memref<6x128xf32, #tpu.memory_space<vmem>>, %arg2: memref<2x128xf32, #tpu.memory_space<vmem>>, %arg3: memref<64x128xf32, #tpu.memory_space<vmem>>) attributes {dimension_semantics = [], scalar_prefetch = 0 : i64, scratch_operands = 0 : i64, tpu.core_type = #tpu.core_type<tc>} {
    %iota3A = tpu.iota {dimensions = array<i32: 0>} : vector<64x1xi32>
    %jit3A = arith.constant 12 : i32
    %div3A = vector.broadcast %jit3A : i32 to vector<64x1xi32>
    %div3A_0 = arith.divsi %iota3A, %div3A : vector<64x1xi32>
    %sign3A = arith.constant 0 : i32
    %sign3A_1 = vector.broadcast %sign3A : i32 to vector<64x1xi32>
    %sign3A_2 = arith.cmpi sgt, %iota3A, %sign3A_1 : vector<64x1xi32>
    %sign3A_3 = arith.extui %sign3A_2 : vector<64x1xi1> to vector<64x1xi32>
    %sign3A_4 = arith.constant 0 : i32
    %sign3A_5 = vector.broadcast %sign3A_4 : i32 to vector<64x1xi32>
    %sign3A_6 = arith.cmpi slt, %iota3A, %sign3A_5 : vector<64x1xi32>
    %sign3A_7 = arith.extui %sign3A_6 : vector<64x1xi1> to vector<64x1xi32>
    %sign3A_8 = arith.subi %sign3A_3, %sign3A_7 : vector<64x1xi32>
    %sign3A_9 = arith.constant 0 : i32
    %sign3A_10 = arith.cmpi sgt, %jit3A, %sign3A_9 : i32
    %sign3A_11 = arith.extui %sign3A_10 : i1 to i32
    %sign3A_12 = arith.constant 0 : i32
    %sign3A_13 = arith.cmpi slt, %jit3A, %sign3A_12 : i32
    %sign3A_14 = arith.extui %sign3A_13 : i1 to i32
    %sign3A_15 = arith.subi %sign3A_11, %sign3A_14 : i32
    %ne3A = vector.broadcast %sign3A_15 : i32 to vector<64x1xi32>
    %ne3A_16 = arith.cmpi ne, %sign3A_8, %ne3A : vector<64x1xi32>
    %rem3A = vector.broadcast %jit3A : i32 to vector<64x1xi32>
    %rem3A_17 = arith.remsi %iota3A, %rem3A : vector<64x1xi32>
    %ne3A_18 = arith.constant 0 : i32
    %ne3A_19 = vector.broadcast %ne3A_18 : i32 to vector<64x1xi32>
    %ne3A_20 = arith.cmpi ne, %rem3A_17, %ne3A_19 : vector<64x1xi32>
    %and3A = arith.andi %ne3A_16, %ne3A_20 : vector<64x1xi1>
    %sub3A = arith.constant 1 : i32
    %sub3A_21 = vector.broadcast %sub3A : i32 to vector<64x1xi32>
    %sub3A_22 = arith.subi %div3A_0, %sub3A_21 : vector<64x1xi32>
    %select_n3A = arith.select %and3A, %sub3A_22, %div3A_0 : vector<64x1xi1>, vector<64x1xi32>
    %jit3A_23 = arith.constant 2 : i32
    %div3A_24 = vector.broadcast %jit3A_23 : i32 to vector<64x1xi32>
    %div3A_25 = arith.divsi %iota3A, %div3A_24 : vector<64x1xi32>
    %sign3A_26 = arith.constant 0 : i32
    %sign3A_27 = vector.broadcast %sign3A_26 : i32 to vector<64x1xi32>
    %sign3A_28 = arith.cmpi sgt, %iota3A, %sign3A_27 : vector<64x1xi32>
    %sign3A_29 = arith.extui %sign3A_28 : vector<64x1xi1> to vector<64x1xi32>
    %sign3A_30 = arith.constant 0 : i32
    %sign3A_31 = vector.broadcast %sign3A_30 : i32 to vector<64x1xi32>
    %sign3A_32 = arith.cmpi slt, %iota3A, %sign3A_31 : vector<64x1xi32>
    %sign3A_33 = arith.extui %sign3A_32 : vector<64x1xi1> to vector<64x1xi32>
    %sign3A_34 = arith.subi %sign3A_29, %sign3A_33 : vector<64x1xi32>
    %sign3A_35 = arith.constant 0 : i32
    %sign3A_36 = arith.cmpi sgt, %jit3A_23, %sign3A_35 : i32
    %sign3A_37 = arith.extui %sign3A_36 : i1 to i32
    %sign3A_38 = arith.constant 0 : i32
    %sign3A_39 = arith.cmpi slt, %jit3A_23, %sign3A_38 : i32
    %sign3A_40 = arith.extui %sign3A_39 : i1 to i32
    %sign3A_41 = arith.subi %sign3A_37, %sign3A_40 : i32
    %ne3A_42 = vector.broadcast %sign3A_41 : i32 to vector<64x1xi32>
    %ne3A_43 = arith.cmpi ne, %sign3A_34, %ne3A_42 : vector<64x1xi32>
    %rem3A_44 = vector.broadcast %jit3A_23 : i32 to vector<64x1xi32>
    %rem3A_45 = arith.remsi %iota3A, %rem3A_44 : vector<64x1xi32>
    %ne3A_46 = arith.constant 0 : i32
    %ne3A_47 = vector.broadcast %ne3A_46 : i32 to vector<64x1xi32>
    %ne3A_48 = arith.cmpi ne, %rem3A_45, %ne3A_47 : vector<64x1xi32>
    %and3A_49 = arith.andi %ne3A_43, %ne3A_48 : vector<64x1xi1>
    %sub3A_50 = arith.constant 1 : i32
    %sub3A_51 = vector.broadcast %sub3A_50 : i32 to vector<64x1xi32>
    %sub3A_52 = arith.subi %div3A_25, %sub3A_51 : vector<64x1xi32>
    %select_n3A_53 = arith.select %and3A_49, %sub3A_52, %div3A_25 : vector<64x1xi1>, vector<64x1xi32>
    %jit3A_54 = arith.constant 6 : i32
    %eq3A = arith.constant 0 : i32
    %eq3A_55 = arith.cmpi eq, %jit3A_54, %eq3A : i32
    %jit3A_56 = arith.constant 1 : i32
    %select_n3A_57 = arith.select %eq3A_55, %jit3A_56, %jit3A_54 : i32
    %rem3A_58 = vector.broadcast %select_n3A_57 : i32 to vector<64x1xi32>
    %rem3A_59 = arith.remsi %select_n3A_53, %rem3A_58 : vector<64x1xi32>
    %ne3A_60 = arith.constant 0 : i32
    %ne3A_61 = vector.broadcast %ne3A_60 : i32 to vector<64x1xi32>
    %ne3A_62 = arith.cmpi ne, %rem3A_59, %ne3A_61 : vector<64x1xi32>
    %lt3A = arith.constant 0 : i32
    %lt3A_63 = vector.broadcast %lt3A : i32 to vector<64x1xi32>
    %lt3A_64 = arith.cmpi slt, %rem3A_59, %lt3A_63 : vector<64x1xi32>
    %lt3A_65 = arith.constant 0 : i32
    %lt3A_66 = arith.cmpi slt, %select_n3A_57, %lt3A_65 : i32
    %ne3A_67 = vector.broadcast %lt3A_66 : i1 to vector<64x1xi1>
    %ne3A_68 = vector.broadcast %ne3A_67 : vector<64x1xi1> to vector<64x1xi1>
    %ne3A_69 = arith.xori %lt3A_64, %ne3A_68 : vector<64x1xi1>
    %and3A_70 = arith.andi %ne3A_69, %ne3A_62 : vector<64x1xi1>
    %add3A = vector.broadcast %select_n3A_57 : i32 to vector<64x1xi32>
    %add3A_71 = arith.addi %rem3A_59, %add3A : vector<64x1xi32>
    %select_n3A_72 = arith.select %and3A_70, %add3A_71, %rem3A_59 : vector<64x1xi1>, vector<64x1xi32>
    %jit3A_73 = arith.constant 2 : i32
    %eq3A_74 = arith.constant 0 : i32
    %eq3A_75 = arith.cmpi eq, %jit3A_73, %eq3A_74 : i32
    %jit3A_76 = arith.constant 1 : i32
    %select_n3A_77 = arith.select %eq3A_75, %jit3A_76, %jit3A_73 : i32
    %rem3A_78 = vector.broadcast %select_n3A_77 : i32 to vector<64x1xi32>
    %rem3A_79 = arith.remsi %iota3A, %rem3A_78 : vector<64x1xi32>
    %ne3A_80 = arith.constant 0 : i32
    %ne3A_81 = vector.broadcast %ne3A_80 : i32 to vector<64x1xi32>
    %ne3A_82 = arith.cmpi ne, %rem3A_79, %ne3A_81 : vector<64x1xi32>
    %lt3A_83 = arith.constant 0 : i32
    %lt3A_84 = vector.broadcast %lt3A_83 : i32 to vector<64x1xi32>
    %lt3A_85 = arith.cmpi slt, %rem3A_79, %lt3A_84 : vector<64x1xi32>
    %lt3A_86 = arith.constant 0 : i32
    %lt3A_87 = arith.cmpi slt, %select_n3A_77, %lt3A_86 : i32
    %ne3A_88 = vector.broadcast %lt3A_87 : i1 to vector<64x1xi1>
    %ne3A_89 = vector.broadcast %ne3A_88 : vector<64x1xi1> to vector<64x1xi1>
    %ne3A_90 = arith.xori %lt3A_85, %ne3A_89 : vector<64x1xi1>
    %and3A_91 = arith.andi %ne3A_90, %ne3A_82 : vector<64x1xi1>
    %add3A_92 = vector.broadcast %select_n3A_77 : i32 to vector<64x1xi32>
    %add3A_93 = arith.addi %rem3A_79, %add3A_92 : vector<64x1xi32>
    %select_n3A_94 = arith.select %and3A_91, %add3A_93, %rem3A_79 : vector<64x1xi1>, vector<64x1xi32>
    %broadcast_in_dim3A = arith.constant 0.000000e+00 : f32
    %broadcast_in_dim3A_95 = vector.broadcast %broadcast_in_dim3A : f32 to vector<64x128xf32>
    %eq3A_96 = arith.constant 0 : i32
    %eq3A_97 = vector.broadcast %eq3A_96 : i32 to vector<64x1xi32>
    %eq3A_98 = arith.cmpi eq, %select_n3A, %eq3A_97 : vector<64x1xi32>
    %get3A = arith.constant 0 : index
    %get3A_99 = arith.constant 0 : index
    %get3A_100 = vector.load %arg0[%get3A, %get3A_99] : memref<5x128xf32, #tpu.memory_space<vmem>>, vector<1x128xf32>
    %jit3A_101 = arith.constant 0.000000e+00 : f32
    %broadcast_in_dim3A_102 = vector.shape_cast %eq3A_98 : vector<64x1xi1> to vector<64x1xi1>
    %broadcast_in_dim3A_103 = vector.broadcast %broadcast_in_dim3A_102 : vector<64x1xi1> to vector<64x128xi1>
    %broadcast_in_dim3A_104 = vector.shape_cast %get3A_100 : vector<1x128xf32> to vector<1x128xf32>
    %broadcast_in_dim3A_105 = vector.broadcast %broadcast_in_dim3A_104 : vector<1x128xf32> to vector<64x128xf32>
    %broadcast_in_dim3A_106 = vector.broadcast %jit3A_101 : f32 to vector<64x128xf32>
    %select_n3A_107 = arith.select %broadcast_in_dim3A_103, %broadcast_in_dim3A_105, %broadcast_in_dim3A_106 : vector<64x128xi1>, vector<64x128xf32>
    %add3A_108 = arith.addf %broadcast_in_dim3A_95, %select_n3A_107 : vector<64x128xf32>
    %eq3A_109 = arith.constant 1 : i32
    %eq3A_110 = vector.broadcast %eq3A_109 : i32 to vector<64x1xi32>
    %eq3A_111 = arith.cmpi eq, %select_n3A, %eq3A_110 : vector<64x1xi32>
    %get3A_112 = arith.constant 1 : index
    %get3A_113 = arith.constant 0 : index
    %get3A_114 = vector.load %arg0[%get3A_112, %get3A_113] : memref<5x128xf32, #tpu.memory_space<vmem>>, vector<1x128xf32>
    %jit3A_115 = arith.constant 0.000000e+00 : f32
    %broadcast_in_dim3A_116 = vector.shape_cast %eq3A_111 : vector<64x1xi1> to vector<64x1xi1>
    %broadcast_in_dim3A_117 = vector.broadcast %broadcast_in_dim3A_116 : vector<64x1xi1> to vector<64x128xi1>
    %broadcast_in_dim3A_118 = vector.shape_cast %get3A_114 : vector<1x128xf32> to vector<1x128xf32>
    %broadcast_in_dim3A_119 = vector.broadcast %broadcast_in_dim3A_118 : vector<1x128xf32> to vector<64x128xf32>
    %broadcast_in_dim3A_120 = vector.broadcast %jit3A_115 : f32 to vector<64x128xf32>
    %select_n3A_121 = arith.select %broadcast_in_dim3A_117, %broadcast_in_dim3A_119, %broadcast_in_dim3A_120 : vector<64x128xi1>, vector<64x128xf32>
    %add3A_122 = arith.addf %add3A_108, %select_n3A_121 : vector<64x128xf32>
    %eq3A_123 = arith.constant 2 : i32
    %eq3A_124 = vector.broadcast %eq3A_123 : i32 to vector<64x1xi32>
    %eq3A_125 = arith.cmpi eq, %select_n3A, %eq3A_124 : vector<64x1xi32>
    %get3A_126 = arith.constant 2 : index
    %get3A_127 = arith.constant 0 : index
    %get3A_128 = vector.load %arg0[%get3A_126, %get3A_127] : memref<5x128xf32, #tpu.memory_space<vmem>>, vector<1x128xf32>
    %jit3A_129 = arith.constant 0.000000e+00 : f32
    %broadcast_in_dim3A_130 = vector.shape_cast %eq3A_125 : vector<64x1xi1> to vector<64x1xi1>
    %broadcast_in_dim3A_131 = vector.broadcast %broadcast_in_dim3A_130 : vector<64x1xi1> to vector<64x128xi1>
    %broadcast_in_dim3A_132 = vector.shape_cast %get3A_128 : vector<1x128xf32> to vector<1x128xf32>
    %broadcast_in_dim3A_133 = vector.broadcast %broadcast_in_dim3A_132 : vector<1x128xf32> to vector<64x128xf32>
    %broadcast_in_dim3A_134 = vector.broadcast %jit3A_129 : f32 to vector<64x128xf32>
    %select_n3A_135 = arith.select %broadcast_in_dim3A_131, %broadcast_in_dim3A_133, %broadcast_in_dim3A_134 : vector<64x128xi1>, vector<64x128xf32>
    %add3A_136 = arith.addf %add3A_122, %select_n3A_135 : vector<64x128xf32>
    %eq3A_137 = arith.constant 3 : i32
    %eq3A_138 = vector.broadcast %eq3A_137 : i32 to vector<64x1xi32>
    %eq3A_139 = arith.cmpi eq, %select_n3A, %eq3A_138 : vector<64x1xi32>
    %get3A_140 = arith.constant 3 : index
    %get3A_141 = arith.constant 0 : index
    %get3A_142 = vector.load %arg0[%get3A_140, %get3A_141] : memref<5x128xf32, #tpu.memory_space<vmem>>, vector<1x128xf32>
    %jit3A_143 = arith.constant 0.000000e+00 : f32
    %broadcast_in_dim3A_144 = vector.shape_cast %eq3A_139 : vector<64x1xi1> to vector<64x1xi1>
    %broadcast_in_dim3A_145 = vector.broadcast %broadcast_in_dim3A_144 : vector<64x1xi1> to vector<64x128xi1>
    %broadcast_in_dim3A_146 = vector.shape_cast %get3A_142 : vector<1x128xf32> to vector<1x128xf32>
    %broadcast_in_dim3A_147 = vector.broadcast %broadcast_in_dim3A_146 : vector<1x128xf32> to vector<64x128xf32>
    %broadcast_in_dim3A_148 = vector.broadcast %jit3A_143 : f32 to vector<64x128xf32>
    %select_n3A_149 = arith.select %broadcast_in_dim3A_145, %broadcast_in_dim3A_147, %broadcast_in_dim3A_148 : vector<64x128xi1>, vector<64x128xf32>
    %add3A_150 = arith.addf %add3A_136, %select_n3A_149 : vector<64x128xf32>
    %eq3A_151 = arith.constant 4 : i32
    %eq3A_152 = vector.broadcast %eq3A_151 : i32 to vector<64x1xi32>
    %eq3A_153 = arith.cmpi eq, %select_n3A, %eq3A_152 : vector<64x1xi32>
    %get3A_154 = arith.constant 4 : index
    %get3A_155 = arith.constant 0 : index
    %get3A_156 = vector.load %arg0[%get3A_154, %get3A_155] : memref<5x128xf32, #tpu.memory_space<vmem>>, vector<1x128xf32>
    %jit3A_157 = arith.constant 0.000000e+00 : f32
    %broadcast_in_dim3A_158 = vector.shape_cast %eq3A_153 : vector<64x1xi1> to vector<64x1xi1>
    %broadcast_in_dim3A_159 = vector.broadcast %broadcast_in_dim3A_158 : vector<64x1xi1> to vector<64x128xi1>
    %broadcast_in_dim3A_160 = vector.shape_cast %get3A_156 : vector<1x128xf32> to vector<1x128xf32>
    %broadcast_in_dim3A_161 = vector.broadcast %broadcast_in_dim3A_160 : vector<1x128xf32> to vector<64x128xf32>
    %broadcast_in_dim3A_162 = vector.broadcast %jit3A_157 : f32 to vector<64x128xf32>
    %select_n3A_163 = arith.select %broadcast_in_dim3A_159, %broadcast_in_dim3A_161, %broadcast_in_dim3A_162 : vector<64x128xi1>, vector<64x128xf32>
    %add3A_164 = arith.addf %add3A_150, %select_n3A_163 : vector<64x128xf32>
    %eq3A_165 = arith.constant 0 : i32
    %eq3A_166 = vector.broadcast %eq3A_165 : i32 to vector<64x1xi32>
    %eq3A_167 = arith.cmpi eq, %select_n3A_72, %eq3A_166 : vector<64x1xi32>
    %get3A_168 = arith.constant 0 : index
    %get3A_169 = arith.constant 0 : index
    %get3A_170 = vector.load %arg1[%get3A_168, %get3A_169] : memref<6x128xf32, #tpu.memory_space<vmem>>, vector<1x128xf32>
    %jit3A_171 = arith.constant 0.000000e+00 : f32
    %broadcast_in_dim3A_172 = vector.shape_cast %eq3A_167 : vector<64x1xi1> to vector<64x1xi1>
    %broadcast_in_dim3A_173 = vector.broadcast %broadcast_in_dim3A_172 : vector<64x1xi1> to vector<64x128xi1>
    %broadcast_in_dim3A_174 = vector.shape_cast %get3A_170 : vector<1x128xf32> to vector<1x128xf32>
    %broadcast_in_dim3A_175 = vector.broadcast %broadcast_in_dim3A_174 : vector<1x128xf32> to vector<64x128xf32>
    %broadcast_in_dim3A_176 = vector.broadcast %jit3A_171 : f32 to vector<64x128xf32>
    %select_n3A_177 = arith.select %broadcast_in_dim3A_173, %broadcast_in_dim3A_175, %broadcast_in_dim3A_176 : vector<64x128xi1>, vector<64x128xf32>
    %add3A_178 = arith.addf %add3A_164, %select_n3A_177 : vector<64x128xf32>
    %eq3A_179 = arith.constant 1 : i32
    %eq3A_180 = vector.broadcast %eq3A_179 : i32 to vector<64x1xi32>
    %eq3A_181 = arith.cmpi eq, %select_n3A_72, %eq3A_180 : vector<64x1xi32>
    %get3A_182 = arith.constant 1 : index
    %get3A_183 = arith.constant 0 : index
    %get3A_184 = vector.load %arg1[%get3A_182, %get3A_183] : memref<6x128xf32, #tpu.memory_space<vmem>>, vector<1x128xf32>
    %jit3A_185 = arith.constant 0.000000e+00 : f32
    %broadcast_in_dim3A_186 = vector.shape_cast %eq3A_181 : vector<64x1xi1> to vector<64x1xi1>
    %broadcast_in_dim3A_187 = vector.broadcast %broadcast_in_dim3A_186 : vector<64x1xi1> to vector<64x128xi1>
    %broadcast_in_dim3A_188 = vector.shape_cast %get3A_184 : vector<1x128xf32> to vector<1x128xf32>
    %broadcast_in_dim3A_189 = vector.broadcast %broadcast_in_dim3A_188 : vector<1x128xf32> to vector<64x128xf32>
    %broadcast_in_dim3A_190 = vector.broadcast %jit3A_185 : f32 to vector<64x128xf32>
    %select_n3A_191 = arith.select %broadcast_in_dim3A_187, %broadcast_in_dim3A_189, %broadcast_in_dim3A_190 : vector<64x128xi1>, vector<64x128xf32>
    %add3A_192 = arith.addf %add3A_178, %select_n3A_191 : vector<64x128xf32>
    %eq3A_193 = arith.constant 2 : i32
    %eq3A_194 = vector.broadcast %eq3A_193 : i32 to vector<64x1xi32>
    %eq3A_195 = arith.cmpi eq, %select_n3A_72, %eq3A_194 : vector<64x1xi32>
    %get3A_196 = arith.constant 2 : index
    %get3A_197 = arith.constant 0 : index
    %get3A_198 = vector.load %arg1[%get3A_196, %get3A_197] : memref<6x128xf32, #tpu.memory_space<vmem>>, vector<1x128xf32>
    %jit3A_199 = arith.constant 0.000000e+00 : f32
    %broadcast_in_dim3A_200 = vector.shape_cast %eq3A_195 : vector<64x1xi1> to vector<64x1xi1>
    %broadcast_in_dim3A_201 = vector.broadcast %broadcast_in_dim3A_200 : vector<64x1xi1> to vector<64x128xi1>
    %broadcast_in_dim3A_202 = vector.shape_cast %get3A_198 : vector<1x128xf32> to vector<1x128xf32>
    %broadcast_in_dim3A_203 = vector.broadcast %broadcast_in_dim3A_202 : vector<1x128xf32> to vector<64x128xf32>
    %broadcast_in_dim3A_204 = vector.broadcast %jit3A_199 : f32 to vector<64x128xf32>
    %select_n3A_205 = arith.select %broadcast_in_dim3A_201, %broadcast_in_dim3A_203, %broadcast_in_dim3A_204 : vector<64x128xi1>, vector<64x128xf32>
    %add3A_206 = arith.addf %add3A_192, %select_n3A_205 : vector<64x128xf32>
    %eq3A_207 = arith.constant 3 : i32
    %eq3A_208 = vector.broadcast %eq3A_207 : i32 to vector<64x1xi32>
    %eq3A_209 = arith.cmpi eq, %select_n3A_72, %eq3A_208 : vector<64x1xi32>
    %get3A_210 = arith.constant 3 : index
    %get3A_211 = arith.constant 0 : index
    %get3A_212 = vector.load %arg1[%get3A_210, %get3A_211] : memref<6x128xf32, #tpu.memory_space<vmem>>, vector<1x128xf32>
    %jit3A_213 = arith.constant 0.000000e+00 : f32
    %broadcast_in_dim3A_214 = vector.shape_cast %eq3A_209 : vector<64x1xi1> to vector<64x1xi1>
    %broadcast_in_dim3A_215 = vector.broadcast %broadcast_in_dim3A_214 : vector<64x1xi1> to vector<64x128xi1>
    %broadcast_in_dim3A_216 = vector.shape_cast %get3A_212 : vector<1x128xf32> to vector<1x128xf32>
    %broadcast_in_dim3A_217 = vector.broadcast %broadcast_in_dim3A_216 : vector<1x128xf32> to vector<64x128xf32>
    %broadcast_in_dim3A_218 = vector.broadcast %jit3A_213 : f32 to vector<64x128xf32>
    %select_n3A_219 = arith.select %broadcast_in_dim3A_215, %broadcast_in_dim3A_217, %broadcast_in_dim3A_218 : vector<64x128xi1>, vector<64x128xf32>
    %add3A_220 = arith.addf %add3A_206, %select_n3A_219 : vector<64x128xf32>
    %eq3A_221 = arith.constant 4 : i32
    %eq3A_222 = vector.broadcast %eq3A_221 : i32 to vector<64x1xi32>
    %eq3A_223 = arith.cmpi eq, %select_n3A_72, %eq3A_222 : vector<64x1xi32>
    %get3A_224 = arith.constant 4 : index
    %get3A_225 = arith.constant 0 : index
    %get3A_226 = vector.load %arg1[%get3A_224, %get3A_225] : memref<6x128xf32, #tpu.memory_space<vmem>>, vector<1x128xf32>
    %jit3A_227 = arith.constant 0.000000e+00 : f32
    %broadcast_in_dim3A_228 = vector.shape_cast %eq3A_223 : vector<64x1xi1> to vector<64x1xi1>
    %broadcast_in_dim3A_229 = vector.broadcast %broadcast_in_dim3A_228 : vector<64x1xi1> to vector<64x128xi1>
    %broadcast_in_dim3A_230 = vector.shape_cast %get3A_226 : vector<1x128xf32> to vector<1x128xf32>
    %broadcast_in_dim3A_231 = vector.broadcast %broadcast_in_dim3A_230 : vector<1x128xf32> to vector<64x128xf32>
    %broadcast_in_dim3A_232 = vector.broadcast %jit3A_227 : f32 to vector<64x128xf32>
    %select_n3A_233 = arith.select %broadcast_in_dim3A_229, %broadcast_in_dim3A_231, %broadcast_in_dim3A_232 : vector<64x128xi1>, vector<64x128xf32>
    %add3A_234 = arith.addf %add3A_220, %select_n3A_233 : vector<64x128xf32>
    %eq3A_235 = arith.constant 5 : i32
    %eq3A_236 = vector.broadcast %eq3A_235 : i32 to vector<64x1xi32>
    %eq3A_237 = arith.cmpi eq, %select_n3A_72, %eq3A_236 : vector<64x1xi32>
    %get3A_238 = arith.constant 5 : index
    %get3A_239 = arith.constant 0 : index
    %get3A_240 = vector.load %arg1[%get3A_238, %get3A_239] : memref<6x128xf32, #tpu.memory_space<vmem>>, vector<1x128xf32>
    %jit3A_241 = arith.constant 0.000000e+00 : f32
    %broadcast_in_dim3A_242 = vector.shape_cast %eq3A_237 : vector<64x1xi1> to vector<64x1xi1>
    %broadcast_in_dim3A_243 = vector.broadcast %broadcast_in_dim3A_242 : vector<64x1xi1> to vector<64x128xi1>
    %broadcast_in_dim3A_244 = vector.shape_cast %get3A_240 : vector<1x128xf32> to vector<1x128xf32>
    %broadcast_in_dim3A_245 = vector.broadcast %broadcast_in_dim3A_244 : vector<1x128xf32> to vector<64x128xf32>
    %broadcast_in_dim3A_246 = vector.broadcast %jit3A_241 : f32 to vector<64x128xf32>
    %select_n3A_247 = arith.select %broadcast_in_dim3A_243, %broadcast_in_dim3A_245, %broadcast_in_dim3A_246 : vector<64x128xi1>, vector<64x128xf32>
    %add3A_248 = arith.addf %add3A_234, %select_n3A_247 : vector<64x128xf32>
    %eq3A_249 = arith.constant 0 : i32
    %eq3A_250 = vector.broadcast %eq3A_249 : i32 to vector<64x1xi32>
    %eq3A_251 = arith.cmpi eq, %select_n3A_94, %eq3A_250 : vector<64x1xi32>
    %get3A_252 = arith.constant 0 : index
    %get3A_253 = arith.constant 0 : index
    %get3A_254 = vector.load %arg2[%get3A_252, %get3A_253] : memref<2x128xf32, #tpu.memory_space<vmem>>, vector<1x128xf32>
    %jit3A_255 = arith.constant 0.000000e+00 : f32
    %broadcast_in_dim3A_256 = vector.shape_cast %eq3A_251 : vector<64x1xi1> to vector<64x1xi1>
    %broadcast_in_dim3A_257 = vector.broadcast %broadcast_in_dim3A_256 : vector<64x1xi1> to vector<64x128xi1>
    %broadcast_in_dim3A_258 = vector.shape_cast %get3A_254 : vector<1x128xf32> to vector<1x128xf32>
    %broadcast_in_dim3A_259 = vector.broadcast %broadcast_in_dim3A_258 : vector<1x128xf32> to vector<64x128xf32>
    %broadcast_in_dim3A_260 = vector.broadcast %jit3A_255 : f32 to vector<64x128xf32>
    %select_n3A_261 = arith.select %broadcast_in_dim3A_257, %broadcast_in_dim3A_259, %broadcast_in_dim3A_260 : vector<64x128xi1>, vector<64x128xf32>
    %add3A_262 = arith.addf %add3A_248, %select_n3A_261 : vector<64x128xf32>
    %eq3A_263 = arith.constant 1 : i32
    %eq3A_264 = vector.broadcast %eq3A_263 : i32 to vector<64x1xi32>
    %eq3A_265 = arith.cmpi eq, %select_n3A_94, %eq3A_264 : vector<64x1xi32>
    %get3A_266 = arith.constant 1 : index
    %get3A_267 = arith.constant 0 : index
    %get3A_268 = vector.load %arg2[%get3A_266, %get3A_267] : memref<2x128xf32, #tpu.memory_space<vmem>>, vector<1x128xf32>
    %jit3A_269 = arith.constant 0.000000e+00 : f32
    %broadcast_in_dim3A_270 = vector.shape_cast %eq3A_265 : vector<64x1xi1> to vector<64x1xi1>
    %broadcast_in_dim3A_271 = vector.broadcast %broadcast_in_dim3A_270 : vector<64x1xi1> to vector<64x128xi1>
    %broadcast_in_dim3A_272 = vector.shape_cast %get3A_268 : vector<1x128xf32> to vector<1x128xf32>
    %broadcast_in_dim3A_273 = vector.broadcast %broadcast_in_dim3A_272 : vector<1x128xf32> to vector<64x128xf32>
    %broadcast_in_dim3A_274 = vector.broadcast %jit3A_269 : f32 to vector<64x128xf32>
    %select_n3A_275 = arith.select %broadcast_in_dim3A_271, %broadcast_in_dim3A_273, %broadcast_in_dim3A_274 : vector<64x128xi1>, vector<64x128xf32>
    %add3A_276 = arith.addf %add3A_262, %select_n3A_275 : vector<64x128xf32>
    %swap3A = arith.constant 0 : index
    %swap3A_277 = arith.constant 0 : index
    %swap3A_278 = vector.load %arg3[%swap3A, %swap3A_277] : memref<64x128xf32, #tpu.memory_space<vmem>>, vector<64x128xf32>
    tpu.vector_store %arg3[%swap3A, %swap3A_277], %add3A_276 {strides = array<i32>} : memref<64x128xf32, #tpu.memory_space<vmem>>, vector<64x128xf32>,
    return
  }
}

</mosaic_0001>

<sc_bundles>
// kernel: kernel.4.cloned.1.call-start
scs
__scs_entry_jumppad:
0x0: {  	(pc) =	sbr.rel $0x88, $3  }
0x1: {  	(tag) =	ssettag $0x0;
	lr =	simm.s32 $0x1  }
0x2: {  	[smem:$0x3F9D] =	sst lr;
	_ =	strace $0xD0000000  }
0x3: {  	_ = 	snop  }
0x4: {  	_ = 	snop  }
0x5: {  	_ = 	snop  }
0x6: {  	_ = 	snop  }
0x7: {  	_ = 	snop  }
__scs_overlays_trampoline_lowered:
0x8: {  	[smem:$0x3FAC] =	sst s0  }
0x9: {  	[smem:$0x3FAD] =	sst s1  }
0xa: {  	[smem:$0x3FAE] =	sst s2  }
0xb: {  	[smem:$0x3FAF] =	sst s3  }
0xc: {  	[smem:$0x3FB0] =	sst s4  }
0xd: {  	[smem:$0x3FB1] =	sst s5  }
0xe: {  	[smem:$0x3FB2] =	sst s6  }
0xf: {  	[smem:$0x3FB3] =	sst s7  }
0x10: {  	[smem:$0x3FB4] =	sst s8  }
0x11: {  	[smem:$0x3FB5] =	sst s9;
	s0 =	simm.s32 @!p0 $0x0  }
0x12: {  	s1 =	sld [smem:$0x3F9B];
	s0 =	simm.s32 @p0 $0x1  }
0x13: {  	[smem:$0x3FB6] =	sst s0;
	s0 =	simm.s32 @!p1 $0x0  }
0x14: {  	s2 =	sld [smem:$0x3F9A];
	s0 =	simm.s32 @p1 $0x1  }
0x15: {  	[smem:$0x3FB7] =	sst s0;
	s0 =	simm.s32 @!p2 $0x0  }
0x16: {  	s3 =	sld [smem:$0x3FDB];
	s0 =	simm.s32 @p2 $0x1  }
0x17: {  	s4 =	simm.s32 $0x1BF5;
	[smem:$0x3FB9] =	sst s0  }
0x18: {  	s0 =	sld [smem:$0x3F9C];
	_ =	swait.ge [sflag:s4], $0x0  }
0x19: {  	s7 =	sld [smem:$0x3F9D]  }
0x1a: {  	s8 =	sadd.s32 $0xFFFFE003, lr  }
0x1b: {  	s9 =	sadd.s32 $0xFFFFFEF7, lr;
	s5 =	simm.s32 $0xFFFFFFFF;
	p2 =	slt.u32 s8, $0xFFFFF086  }
0x1c: {  	p1 =	slt.u32 s9, $0xF7A;
	s5 =	simm.s32 @!p2 $0x0  }
0x1d: {  	s5 =	simm.s32 @p1 $0x1;
	p0 =	seq.s32 s7, s2  }
0x1e: {  	s7 =	smul.u32 @!p0 $0xF7A, s2;
	p2 =	seq.s32 @!p0 s5, $0x0  }
0x1f: {  	s9 =	smul.u32 $0xF7A, s1;
	s8 =	simm.s32 @!p0 $0x1BF5;
	p2 =	por !p2, p0  }
0x20: {  	[sflag:s8] =	ssyncset.s32 @!p0 $0xFFFFF086;
	s6 =	sadd.s32 @!p0 s3, s7;
	s7 =	simm.s32 @!p0 $0x108  }
0x21: {  	s3 =	sadd.s32 s3, s9;
	s6 =	sadd.s32 @!p0 $0x88, s6;
	s7 =	simm.s32 @p2 $0x1082  }
0x22: {  	[simem:s7], [sflag:s8] =	dma.local @!p0 [hbm:s6], $0xF7A  }
0x23: {  	s9 =	sor.u32 $0xD0000000, s2;
	s6 =	simm.s32 $0x108;
	_ =	swait.ge @!p0 [sflag:s8], $0x0  }
0x24: {  	s3 =	sadd.s32 $0x88, s3;
	s6 =	simm.s32 @!p1 $0x1082;
	[sflag:s4] =	ssyncset.s32 $0xFFFFF086  }
0x25: {  	[simem:s6], [sflag:s4] =	dma.local [hbm:s3], $0xF7A  }
0x26: {  	[smem:$0x3F9D] =	sst s1;
	(tag) =	ssettag s2;
	_ =	strace s9  }
0x27: {  	s1 =	sld [smem:$0x3FAD]  }
0x28: {  	s2 =	sld [smem:$0x3FAE]  }
0x29: {  	s4 =	sld [smem:$0x3FB0]  }
0x2a: {  	p0 =	seq.s32 s5, $0x0;
	s5 =	sld [smem:$0x3FB1]  }
0x2b: {  	s6 =	sld [smem:$0x3FB2]  }
0x2c: {  	s7 =	sld [smem:$0x3FB3]  }
0x2d: {  	s3 =	simm.s32 $0x108;
	s8 =	sld [smem:$0x3FB4]  }
0x2e: {  	s3 =	simm.s32 @!p0 $0x1082;
	s9 =	sld [smem:$0x3FB5]  }
0x2f: {  	lr =	sadd.s32 s0, s3;
	s0 =	sld [smem:$0x3FAC]  }
0x30: {  	s3 =	sld [smem:$0x3FAF]  }
0x31: {  	[smem:$0x3FB8] =	sst s10  }
0x32: {  	s10 =	sld [smem:$0x3FB6];
	_ =	sdelay $0x3  }
0x33: {  	p0 =	seq.s32 s10, $0x1;
	s10 =	sld [smem:$0x3FB8];
	_ =	sdelay $0x3  }
0x34: {  	[smem:$0x3FB8] =	sst s10  }
0x35: {  	s10 =	sld [smem:$0x3FB7];
	_ =	sdelay $0x3  }
0x36: {  	p1 =	seq.s32 s10, $0x1;
	s10 =	sld [smem:$0x3FB8];
	_ =	sdelay $0x3  }
0x37: {  	[smem:$0x3FB8] =	sst s10  }
0x38: {  	s10 =	sld [smem:$0x3FB9]  }
0x39: {  	_ = 	snop;
	(pc) =	sbr.ind lr, $3  }
0x3a: {  	_ = 	snop  }
0x3b: {  	_ = 	snop  }
0x3c: {  	p2 =	seq.s32 s10, $0x1;
	s10 =	sld [smem:$0x3FB8]  }
0x3d: {  	_ =	shalt  }
0x3e: {  	_ =	shalt  }
0x3f: {  	_ =	shalt  }
0x40: {  	_ =	shalt  }
0x41: {  	_ =	shalt  }
0x42: {  	_ =	shalt  }
0x43: {  	_ =	shalt  }
0x44: {  	_ =	shalt  }
0x45: {  	_ =	shalt  }
0x46: {  	_ =	shalt  }
0x47: {  	_ =	shalt  }
0x48: {  	_ =	shalt  }
0x49: {  	_ =	shalt  }
0x4a: {  	_ =	shalt  }
0x4b: {  	_ =	shalt  }
0x4c: {  	_ =	shalt  }
0x4d: {  	_ =	shalt  }
0x4e: {  	_ =	shalt  }
0x4f: {  	_ =	shalt  }
0x50: {  	_ =	shalt  }
0x51: {  	_ =	shalt  }
0x52: {  	_ =	shalt  }
0x53: {  	_ =	shalt  }
0x54: {  	_ =	shalt  }
0x55: {  	_ =	shalt  }
0x56: {  	_ =	shalt  }
0x57: {  	_ =	shalt  }
0x58: {  	_ =	shalt  }
0x59: {  	_ =	shalt  }
0x5a: {  	_ =	shalt  }
0x5b: {  	_ =	shalt  }
0x5c: {  	_ =	shalt  }
0x5d: {  	_ =	shalt  }
0x5e: {  	_ =	shalt  }
0x5f: {  	_ =	shalt  }
0x60: {  	_ =	shalt  }
0x61: {  	_ =	shalt  }
0x62: {  	_ =	shalt  }
0x63: {  	_ =	shalt  }
0x64: {  	_ =	shalt  }
0x65: {  	_ =	shalt  }
0x66: {  	_ =	shalt  }
0x67: {  	_ =	shalt  }
0x68: {  	_ =	shalt  }
0x69: {  	_ =	shalt  }
0x6a: {  	_ =	shalt  }
0x6b: {  	_ =	shalt  }
0x6c: {  	_ =	shalt  }
0x6d: {  	_ =	shalt  }
0x6e: {  	_ =	shalt  }
0x6f: {  	_ =	shalt  }
0x70: {  	_ =	shalt  }
0x71: {  	_ =	shalt  }
0x72: {  	_ =	shalt  }
0x73: {  	_ =	shalt  }
0x74: {  	_ =	shalt  }
0x75: {  	_ =	shalt  }
0x76: {  	_ =	shalt  }
0x77: {  	_ =	shalt  }
0x78: {  	_ =	shalt  }
0x79: {  	_ =	shalt  }
0x7a: {  	_ =	shalt  }
0x7b: {  	_ =	shalt  }
0x7c: {  	_ =	shalt  }
0x7d: {  	_ =	shalt  }
0x7e: {  	_ =	shalt  }
0x7f: {  	_ =	shalt  }
0x80: {  	_ =	shalt  }
0x81: {  	_ =	shalt  }
0x82: {  	_ =	shalt  }
0x83: {  	_ =	shalt  }
0x84: {  	_ =	shalt  }
0x85: {  	_ =	shalt  }
0x86: {  	_ =	shalt  }
0x87: {  	_ =	shalt  }
.Lfunc_end0:
.L_simem_size_0:
called_computation_lowered:
.L_overlay_start_0:
0x88: {  	s2 =	sld [smem:$0x3FD9]  }
0x89: {  	s3 =	sld [smem:$0x3FFE];
	_ =	sdelay $0x1  }
0x8a: {  	s1 =	srdreg.scid  }
0x8b: {  	s0 =	sand.u32 $0x1, s1  }
0x8c: {  	s17 =	sshll.u32 s0, $0xA;
	s2 =	sadd.s32 s3, s2  }
0x8d: {  	s2 =	sadd.s32 s2, s17  }
0x8e: {  	[smem:$0x3FC4] =	sst s2  }
0x8f: {  	_ = 	snop  }
0x90: {  	s2 =	sld [smem:$0x3FD0];
	(tm) =	ssettm $0x1  }
0x91: {  	s18 =	sld [smem:$0x3FFB];
	_ =	sdelay $0x3  }
0x92: {  	_ =	strace s18  }
0x93: {  	s3 =	sld [smem:$0x3FFC];
	_ =	sdelay $0x3  }
0x94: {  	_ =	strace s3  }
0x95: {  	s3 =	sld [smem:$0x3FFD];
	_ =	sdelay $0x3  }
0x96: {  	_ =	strace s3  }
0x97: {  	_ =	strace $0x8FFFFFFF  }
0x98: {  	s19 =	sld [smem:$0x3FDB];
	_ =	sdelay $0x1  }
0x99: {  	s4 =	simm.s32 $_scs_section_size  }
0x9a: {  	s5 =	simm.s32 $_size__tile_overlayer_lowered;
	s6 =	simm.s32 $_tile_overlayer_lowered  }
0x9b: {  	s22 =	simm.s32 $0x1BFF;
	s21 =	sshll.u32 s6, $0x1;
	s3 =	sadd.s32 s4, s19  }
0x9c: {  	s7 =	simm.s32 $0x0;
	s20 =	sshll.u32 s5, $0x1;
	s5 =	sadd.s32 s21, s3  }
0x9d: {  	[timem:s7], [sflag:s22] =	dma.local [hbm:s5], s20  }
0x9e: {  	_ =	swait.ge [sflag:s22], s20  }
0x9f: {  	s4 =	ssub.s32 $0x0, s20;
	[sflag:s22] =	ssyncset.done $0x0  }
0xa0: {  	[sflag:s22] =	ssyncadd.s32 s4;
	_ =	sdelay $0x1  }
0xa1: {  	s23 =	simm.s32 $0x1B8B  }
0xa2: {  	_ =	swait.ge [sflag:s23], $0x1  }
0xa3: {  	[sflag:s23] =	ssyncset.done $0x0  }
0xa4: {  	s25 =	simm.s32 $0x1B8E;
	s24 =	sld [smem:$0x3FFE];
	[sflag:s23] =	ssyncadd.s32 $0xFFFFFFFF  }
0xa5: {  	s26 =	simm.s32 $execute0_lowered;
	[smem:$0x3FD2] =	sst s25  }
0xa6: {  	s5 =	sshll.u32 s26, $0x1;
	_ =	strace $0x80000046;
	[dreg:$0x1] =	wrdreg $0xFFFFFFFF  }
0xa7: {  	s28 =	simm.s32 $_size_execute0_lowered;
	s3 =	sadd.s32 s3, s5;
	[dreg:$0x0] =	wrdreg $0x0  }
0xa8: {  	s5 =	sshll.u32 s28, $0x1;
	[dreg:$0x2] =	wrdreg s3  }
0xa9: {  	[dreg:$0x3] =	wrdreg s5  }
0xaa: {  	[dreg:$0x4] =	wrdreg $0xC0  }
0xab: {  	_ =	task [dreg:s7], $0x5FFFF  }
0xac: {  	[dreg:$0x1] =	wrdreg $0xFFFFFFFF  }
0xad: {  	[dreg:$0x0] =	wrdreg $0x60  }
0xae: {  	[dreg:$0x2] =	wrdreg s24  }
0xaf: {  	[dreg:$0x3] =	wrdreg s2  }
0xb0: {  	[dreg:$0x4] =	wrdreg $0x0  }
0xb1: {  	[dreg:$0x5] =	wrdreg $0x9  }
0xb2: {  	_ =	task.clear_ibuf [dreg:s7], $0x6FFFF;
	_ =	strace $0x90000046  }
0xb3: {  	s29 =	simm.s32 $0x9;
	_ =	strace $0x80000048  }
0xb4: {  	_ =	swait.ge [sflag:s29], $0x1  }
0xb5: {  	[sflag:s29] =	ssyncadd.s32 $0xFFFFFFFF  }
0xb6: {  	_ =	strace $0x90000048  }
0xb7: {  	_ =	sfence  }
0xb8: {  	s30 =	sld [smem:$0x0];
	_ =	sdelay $0x2  }
0xb9: {  	s31 =	sshll.u32 s1, $0xD;
	s1 =	sshrl.u32 s1, $0x2  }
0xba: {  	s3 =	sand.u32 $0x4000, s31;
	s1 =	sadd.s32 s1, s30  }
0xbb: {  	s0 =	sor.u32 s3, s0;
	s1 =	sshll.u32 s1, $0x11  }
0xbc: {  	s0 =	sor.u32 s1, s0  }
0xbd: {  	s0 =	sadd.s32 $0x8F2B, s0  }
0xbe: {  	[sflag:s0] =	ssyncadd.remote.s32 $0x1  }
0xbf: {  	_ =	sfence.sel $0xFFFF  }
0xc0: {  	[dreg:$0x0] =	wrdreg $0xFFFFFFFF;
	(pc) =	sbr.abs _section_cstart, $3  }
0xc1: {  	[dreg:$0x1] =	wrdreg $0xFFFFFFFF  }
0xc2: {  	_ =	task.clear_ibuf [dreg:s7], $0x2FFFF;
	_ =	strace $0x9FFFFFFF  }
0xc3: {  	(tm) =	ssettm $0x7FFFFFFF  }
tec
execute0_lowered:
.L_overlay_start_1:
0x0: {  	(tag) =	ssettag $0x1  }
0x1: {  	s5 =	rddreg [dreg:$0x0]  }
0x2: {  	s1 =	rddreg [dreg:$0x1]  }
0x3: {  	s2 =	rddreg [dreg:$0x2]  }
0x4: {  	s0 =	rddreg [dreg:$0x3];
	s3 =	simm.s32 $0x0  }
0x5: {  	s4 =	srdreg.scid;
	s10 =	stileid.u32;
	s17 =	simm.s32 $0x3  }
0x6: {  	s18 =	simm.s32 $0x50;
	s19 =	simm.s32 $0x2;
	s20 =	simm.s32 $0x14400  }
0x7: {  	s21 =	simm.s32 $0x0;
	[smem:$0x7FF] =	sst s3;
	s13 =	smul.u32 $0x271000, s10  }
0x8: {  	s8 =	sand.u32 $0x1, s4;
	s4 =	sadd.s32 $0x4E2C00, s5;
	s15 =	smul.u32 $0x4E200, s10  }
0x9: {  	s29 =	sshll.u32 s10, $0x1;
	s11 =	sadd.s32 $0xC00, s5;
	s14 =	smul.u32 $0x138800, s8  }
0xa: {  	s6 =	sor.u32 s8, s29;
	s30 =	ssub.s32 $0x2, s8;
	s16 =	smul.u32 $0x27100, s8  }
0xb: {  	p0 =	sne.s32 s10, $0x0;
	s7 =	smul.u32 $0x138800, s6;
	s9 =	sshrl.u32 s30, $0x1  }
0xc: {  	_ =	strace $0x80000047;
	s6 =	smul.u32 $0x27100, s6;
	s9 =	ssub.s32 s30, s9  }
0xd: {  	s31 =	sadd.s32 s14, s13;
	s13 =	simm.s32 $0x200;
	s14 =	simm.s32 $0x2A00  }
0xe: {  	s12 =	sshrl.u32 s7, $0x3;
	s5 =	sadd.s32 s11, s6;
	s9 =	smax.u32 s9, $0x1  }
0xf: {  	s10 =	sadd.s32 $0xFFFFD800, s31;
	s7 =	sadd.s32 s11, s12;
	s12 =	sadd.s32 s1, s12  }
0x10: {  	s11 =	sadd.s32 s15, s11;
	s15 =	simm.s32 $0x5200;
	s6 =	sadd.s32 $0x500, s7  }
0x11: {  	v0 =	vlaneseq.u32;
	s7 =	sadd.s32 $0xA00, s7;
	s8 =	sadd.s32 $0x26C00, s12;
	s11 =	sadd.s32 s16, s11  }
0x12: {  	v1 =	vimm.s32 $0x0;
	v0 =	vmul.u32 $0x80, v0;
	s12 =	sshrl.u32 @!p0 s2, $0x3;
	s16 =	simm.s32 $0x1;
	s11 =	sadd.s32 $0xF00, s11  }
.LBB2_1:
0x13: {  	s22 =	simm.s32 @!p0 $0x1C04  }
0x14: {  	[spmem:s12], [sflag:s22] =	dma.local @!p0 [hbm:s4], $0x400  }
0x15: {  	s22 =	simm.s32 @!p0 $0x4  }
0x16: {  	_ =	swait.ge @!p0 [sflag:s22], $0x400  }
0x17: {  	[sflag:s22] =	ssyncset.done @!p0 $0x0  }
0x18: {  	[sflag:s22] =	ssyncadd.s32 @!p0 $0xFFFFFC00  }
0x19: {  	[bflag:$0x0] =	sbarrier.arrive $0xFFFF  }
0x1a: {  	[tilespmem:s13], [sflag:$0x1] =	stream.linear.gather [hbm4b:s5+s3], $0x2800, $0x38;
	[tilespmem:$0x19400] =	vst v63  }
0x1b: {  	_ = 	snop  }
0x1c: {  	[tilespmem:s14], [sflag:$0x1] =	stream.linear.gather [hbm4b:s6+s3], $0x2800, $0x38;
	[tilespmem:$0x19400] =	vst v63  }
0x1d: {  	s23 =	smov.u32 s10;
	s24 =	simm.s32 $0x0;
	s22 =	smov.u32 s11  }
0x1e: {  	[tilespmem:s15], [sflag:$0x1] =	stream.linear.gather [hbm4b:s7+s3], $0x2800, $0x38;
	[tilespmem:$0x19400] =	vst v63  }
.LBB2_2:
0x1f: {  	p1 =	sgt.u32 s24, $0x79  }
0x20: {  	s31 =	sand.u32 $0x3, s24;
	s25 =	sadd.s32 @!p1 $0xFFFFFFFF, s24  }
0x21: {  	s28 =	smul.u32 $0x50, s31;
	s25 =	sand.u32 @!p1 $0x3, s25  }
0x22: {  	s25 =	smul.u32 @!p1 $0xA000, s25  }
0x23: {  	_ =	swait.ge [sflag:s16], $0x2800  }
0x24: {  	[sflag:s16] =	ssyncset.done $0x0;
	s26 =	simm.s32 @!p1 $0x0;
	v2 =	vmov s28;
	s25 =	sshrl.u32 @!p1 s25, $0x2  }
0x25: {  	p2 =	slt.u32 @!p1 s24, $0x6;
	[sflag:s16] =	ssyncadd.s32 $0xFFFFD800;
	v2 =	vshll.u32 v2, $0x7;
	s25 =	sor.u32 @!p1 $0x200, s25  }
0x26: {  	v2 =	vor.u32 v0, v2;
	[tilespmem:s25], [sflag:$0x1] =	stream.linear.gather @!p1 [hbm4b:s22+s26], $0x2800, $0x38;
	[tilespmem:$0x19400] =	vst v63  }
0x27: {  	v3 =	vor.u32 $0x1, v2;
	p1 =	por p1, !p2  }
0x28: {  	_ =	swait.ge @p1 [sflag:s17], $0x2800  }
0x29: {  	[sflag:s17] =	ssyncset.done @p1 $0x0  }
0x2a: {  	v4 =	vor.u32 $0x2, v2;
	[sflag:s17] =	ssyncadd.s32 @p1 $0xFFFFD800  }
0x2b: {  	v2 =	vld.idx.msk [tilespmem:v2+s13+$0x0], $0xffff  }
0x2c: {  	s26 =	smul.u32 $0xAB, s24;
	v3 =	vld.idx.msk [tilespmem:v3+s13+$0x0], $0xffff;
	_ =	sdelay $0x1  }
0x2d: {  	s25 =	sshrl.u32 s26, $0xA  }
0x2e: {  	s25 =	sand.u32 $0x3F, s25;
	v4 =	vld.idx.msk [tilespmem:v4+s13+$0x0], $0xffff  }
0x2f: {  	s29 =	sadd.s32 $0x10, s28;
	s25 =	smul.u32 $0x6, s25;
	vm0 =	vgt.s32 v2, $0x0  }
0x30: {  	v5 =	vmov s29;
	vm14 =	vgt.s32 v3, $0x0;
	v2 =	vnsel vm0, $0x0, v2  }
0x31: {  	v5 =	vshll.u32 v5, $0x7;
	s25 =	ssub.s32 s24, s25;
	v3 =	vnsel vm14, $0x0, v3;
	v2 =	vmin.u32 v2, $0x4  }
0x32: {  	v5 =	vor.u32 v0, v5;
	s25 =	sand.u32 $0xFF, s25;
	v3 =	vmin.u32 v3, $0x5;
	v2 =	vmul.u32 $0xC, v2  }
0x33: {  	v56 =	vor.u32 $0x1, v5;
	s30 =	smul.u32 $0x140, s25;
	vm15 =	vgt.s32 v4, $0x0;
	v3 =	vshll.u32 v3, $0x1  }
0x34: {  	v2 =	vadd.s32 v2, v3;
	v3 =	vsel vm15, $0x1, v1  }
0x35: {  	s26 =	sshrl.u32 s30, $0x2;
	v2 =	vor.u32 v3, v2  }
0x36: {  	[tilespmem:s26+$0xA200] =	vst v2;
	v2 =	vor.u32 $0x2, v5  }
0x37: {  	v3 =	vld.idx.msk [tilespmem:v5+s13+$0x0], $0xffff  }
0x38: {  	v4 =	vld.idx.msk [tilespmem:v56+s13+$0x0], $0xffff;
	_ =	sdelay $0x2  }
0x39: {  	v2 =	vld.idx.msk [tilespmem:v2+s13+$0x0], $0xffff  }
0x3a: {  	s29 =	sadd.s32 $0x20, s28;
	vm4 =	vgt.s32 v3, $0x0  }
0x3b: {  	v57 =	vmov s29;
	vm5 =	vgt.s32 v4, $0x0;
	v3 =	vnsel vm4, $0x0, v3  }
0x3c: {  	v5 =	vshll.u32 v57, $0x7;
	v4 =	vnsel vm5, $0x0, v4;
	v3 =	vmin.u32 v3, $0x4  }
0x3d: {  	v5 =	vor.u32 v0, v5;
	v4 =	vmin.u32 v4, $0x5;
	v3 =	vmul.u32 $0xC, v3  }
0x3e: {  	v58 =	vor.u32 $0x1, v5;
	vm6 =	vgt.s32 v2, $0x0;
	v2 =	vshll.u32 v4, $0x1  }
0x3f: {  	v2 =	vadd.s32 v3, v2;
	v3 =	vsel vm6, $0x1, v1  }
0x40: {  	v2 =	vor.u32 v3, v2  }
0x41: {  	[tilespmem:s26+$0xA210] =	vst v2;
	v2 =	vor.u32 $0x2, v5  }
0x42: {  	v3 =	vld.idx.msk [tilespmem:v5+s13+$0x0], $0xffff  }
0x43: {  	v4 =	vld.idx.msk [tilespmem:v58+s13+$0x0], $0xffff;
	_ =	sdelay $0x2  }
0x44: {  	v2 =	vld.idx.msk [tilespmem:v2+s13+$0x0], $0xffff  }
0x45: {  	s31 =	sadd.s32 $0x30, s28;
	vm7 =	vgt.s32 v3, $0x0  }
0x46: {  	v59 =	vmov s31;
	vm8 =	vgt.s32 v4, $0x0;
	v3 =	vnsel vm7, $0x0, v3  }
0x47: {  	v5 =	vshll.u32 v59, $0x7;
	v4 =	vnsel vm8, $0x0, v4;
	v3 =	vmin.u32 v3, $0x4  }
0x48: {  	v5 =	vor.u32 v0, v5;
	v4 =	vmin.u32 v4, $0x5;
	v3 =	vmul.u32 $0xC, v3  }
0x49: {  	v60 =	vor.u32 $0x1, v5;
	vm9 =	vgt.s32 v2, $0x0;
	v2 =	vshll.u32 v4, $0x1  }
0x4a: {  	v2 =	vadd.s32 v3, v2;
	v3 =	vsel vm9, $0x1, v1  }
0x4b: {  	v2 =	vor.u32 v3, v2  }
0x4c: {  	[tilespmem:s26+$0xA220] =	vst v2;
	v2 =	vor.u32 $0x2, v5  }
0x4d: {  	v3 =	vld.idx.msk [tilespmem:v5+s13+$0x0], $0xffff  }
0x4e: {  	v4 =	vld.idx.msk [tilespmem:v60+s13+$0x0], $0xffff;
	_ =	sdelay $0x2  }
0x4f: {  	v2 =	vld.idx.msk [tilespmem:v2+s13+$0x0], $0xffff  }
0x50: {  	s28 =	sadd.s32 $0x40, s28;
	vm10 =	vgt.s32 v3, $0x0  }
0x51: {  	v61 =	vmov s28;
	vm11 =	vgt.s32 v4, $0x0;
	v3 =	vnsel vm10, $0x0, v3  }
0x52: {  	v5 =	vshll.u32 v61, $0x7;
	v4 =	vnsel vm11, $0x0, v4;
	v3 =	vmin.u32 v3, $0x4  }
0x53: {  	v5 =	vor.u32 v0, v5;
	v4 =	vmin.u32 v4, $0x5;
	v3 =	vmul.u32 $0xC, v3  }
0x54: {  	v62 =	vor.u32 $0x1, v5;
	vm12 =	vgt.s32 v2, $0x0;
	v2 =	vshll.u32 v4, $0x1  }
0x55: {  	v2 =	vadd.s32 v3, v2;
	v3 =	vsel vm12, $0x1, v1  }
0x56: {  	v2 =	vor.u32 v3, v2  }
0x57: {  	[tilespmem:s26+$0xA230] =	vst v2;
	v2 =	vor.u32 $0x2, v5  }
0x58: {  	v3 =	vld.idx.msk [tilespmem:v5+s13+$0x0], $0xffff  }
0x59: {  	v4 =	vld.idx.msk [tilespmem:v62+s13+$0x0], $0xffff;
	_ =	sdelay $0x2  }
0x5a: {  	v2 =	vld.idx.msk [tilespmem:v2+s13+$0x0], $0xffff  }
0x5b: {  	p1 =	seq.s32 s24, $0x0;
	vm13 =	vgt.s32 v3, $0x0  }
0x5c: {  	s28 =	sadd.s32 @!p1 $0xFFFFFFFF, s24;
	vm14 =	vgt.s32 v4, $0x0;
	v3 =	vnsel vm13, $0x0, v3  }
0x5d: {  	s29 =	sand.u32 @!p1 $0xFF, s28;
	v4 =	vnsel vm14, $0x0, v4;
	v3 =	vmin.u32 v3, $0x4  }
0x5e: {  	s29 =	smul.u32 @!p1 $0xAB, s29;
	v4 =	vmin.u32 v4, $0x5;
	v3 =	vmul.u32 $0xC, v3  }
0x5f: {  	s25 =	smul.u32 $0xA000, s25;
	vm15 =	vgt.s32 v2, $0x0;
	v2 =	vshll.u32 v4, $0x1  }
0x60: {  	v63 =	vsel vm15, $0x1, v1;
	v2 =	vadd.s32 v3, v2  }
0x61: {  	s29 =	sshrl.u32 @!p1 s29, $0xA;
	s25 =	sshrl.u32 s25, $0x2;
	v2 =	vor.u32 v63, v2  }
0x62: {  	s30 =	sadd.s32 $0xA200, s26;
	s25 =	sadd.s32 $0xA400, s25;
	[tilespmem:s26+$0xA240] =	vst v2;
	s26 =	smul.u32 @!p1 $0x6, s29  }
0x63: {  	[tilespmem:s25], [sflag:$0x2] =	stream.indirect.gather [spmem:s2], $0x80, s30, s18, $0xb8;
	[tilespmem:$0x19400] =	vst v63  }
0x64: {  	s25 =	ssub.s32 @!p1 s28, s26  }
0x65: {  	s26 =	simm.s32 @!p1 $0x2;
	s25 =	sand.u32 @!p1 $0xFF, s25  }
0x66: {  	_ =	swait.ge @!p1 [sflag:s26], $0x2800;
	s25 =	smul.u32 @!p1 $0xA000, s25  }
0x67: {  	s24 =	sadd.s32 $0x1, s24;
	[sflag:s26] =	ssyncset.done @!p1 $0x0  }
0x68: {  	[sflag:s26] =	ssyncadd.s32 @!p1 $0xFFFFD800;
	s26 =	sshrl.u32 @!p1 s23, $0x3;
	s25 =	sshrl.u32 @!p1 s25, $0x2  }
0x69: {  	s28 =	simm.s32 @!p1 $0x0;
	s26 =	sadd.s32 @!p1 s1, s26;
	s25 =	sadd.s32 @!p1 $0xA400, s25  }
0x6a: {  	[hbm4b:s26+s28] =	stream.linear.scatter @!p1 [tilespmem:s25], [sflag:$0x3], $0x2800, $0x38;
	[tilespmem:$0x19400] =	vst v63  }
0x6b: {  	p1 =	sne.s32 s24, $0x7D  }
.Ltmp0:
0x6c: {  	_ = 	snop;
	(pc) =	sbr.rel @p1 .LBB2_2-.Ltmp0, $2  }
0x6d: {  	_ =	sdelay $0x2  }
0x6e: {  	s22 =	sadd.s32 $0x500, s22;
	s23 =	sadd.s32 $0x2800, s23  }
0x6f: {  	_ =	swait.ge [sflag:s19], $0x2800  }
0x70: {  	[sflag:s19] =	ssyncset.done $0x0  }
0x71: {  	[sflag:s19] =	ssyncadd.s32 $0xFFFFD800  }
0x72: {  	[hbm4b:s8+s3] =	stream.linear.scatter [tilespmem:s20], [sflag:$0x3], $0x2800, $0x38;
	[tilespmem:$0x19400] =	vst v63  }
0x73: {  	_ =	swait.ge [sflag:s17], $0x2800  }
0x74: {  	[sflag:s17] =	ssyncset.done $0x0  }
0x75: {  	[sflag:s17] =	ssyncadd.s32 $0xFFFFD800  }
0x76: {  	_ =	swait.ge [sflag:s17], $0x2800  }
0x77: {  	[sflag:s17] =	ssyncset.done $0x0  }
0x78: {  	[sflag:s17] =	ssyncadd.s32 $0xFFFFD800  }
0x79: {  	_ =	swait.ge [sflag:s17], $0x2800  }
0x7a: {  	[sflag:s17] =	ssyncset.done $0x0  }
0x7b: {  	[sflag:s17] =	ssyncadd.s32 $0xFFFFD800  }
0x7c: {  	_ =	swait.ge [sflag:s17], $0x2800  }
0x7d: {  	[sflag:s17] =	ssyncset.done $0x0  }
0x7e: {  	s21 =	sadd.s32 $0x1, s21;
	[sflag:s17] =	ssyncadd.s32 $0xFFFFD800  }
0x7f: {  	p1 =	sne.s32 s21, s9;
	_ =	swait.ge [sflag:s17], $0x2800  }
.Ltmp1:
0x80: {  	[sflag:s17] =	ssyncset.done $0x0;
	(pc) =	sbr.rel @p1 .LBB2_1-.Ltmp1, $4  }
0x81: {  	[sflag:s17] =	ssyncadd.s32 $0xFFFFD800  }
0x82: {  	_ =	swait.ge [sflag:s17], $0x2800  }
0x83: {  	[sflag:s17] =	ssyncset.done $0x0  }
0x84: {  	[sflag:s17] =	ssyncadd.s32 $0xFFFFD800  }
0x85: {  	_ =	sfence.sel $0x180000  }
0x86: {  	[bflag:$0x0] =	sbarrier.arrive $0xFFFF  }
0x87: {  	_ =	strace $0x90000047  }
0x88: {  	s0 =	sadd.s32 @!p0 $0x100000, s0;
	[bflag:$0x2] =	sbarrier.arrive $0xFFFF  }
0x89: {  	[sflag:s0] =	ssyncadd.tile.s32 @!p0 $0x1;
	_ =	shalt  }
.Lfunc_end2:
_tile_overlayer_lowered:
.L_overlay_start_2:
0x8a: {  	(tag) =	ssettag $0x2  }
0x8b: {  	s0 =	rddreg [dreg:$0x0];
	s2 =	stileid.u32  }
0x8c: {  	s1 =	rddreg [dreg:$0x1];
	p0 =	sne.s32 s2, $0x0  }
0x8d: {  	s3 =	rddreg [dreg:$0x2];
	[bflag:$0x3] =	sbarrier.arrive $0xFFFF;
	s2 =	simm.s32 @!p0 $0x1C04  }
0x8e: {  	[timem:s3], [sflag:s2] =	dma.local @!p0 [hbm:s0], s1  }
0x8f: {  	s0 =	simm.s32 @!p0 $0x4  }
0x90: {  	_ =	swait.ge @!p0 [sflag:s0], s1  }
0x91: {  	s1 =	ssub.s32 @!p0 $0x0, s1;
	[sflag:s0] =	ssyncset.done @!p0 $0x0  }
0x92: {  	[sflag:s0] =	ssyncadd.s32 @!p0 s1  }
0x93: {  	[bflag:$0x3] =	sbarrier.arrive $0xFFFF  }
0x94: {  	_ =	shalt  }

</sc_bundles>
